<compile_context>
chip_gen: v7x
topology: tpu7x:2x2x1
jax: 0.10.2.dev20260603
libtpu: 0.0.44.dev20260713+nightly
codegen_flags: <defaults>
</compile_context>

<pallas_src>
import functools

import jax
import jax.numpy as jnp
import numpy as np
from jax import lax
from jax.experimental import pallas as pl
from jax.experimental.pallas import tpu as pltpu
from jax.experimental.pallas import tpu_sc as plsc

N = 20000
NN = 10000
E = 320000
F = 128
C = 8
NCLS = 10
SLOPE = 0.01

NC = 2
NS = 16
NW = NC * NS
K = 80
NCH = E // (NW * K)
NPAD = 20096
SL = NPAD // NS

def _deg_body(col_hbm, zeros1_hbm, deg_out, colv, onesv, stage, acc, sem):
    cid = lax.axis_index("c")
    sid = lax.axis_index("s")
    wid = cid * NS + sid
    for i in range(K // 16):
        onesv[pl.ds(i * 16, 16)] = jnp.ones((16,), jnp.float32)
    pltpu.sync_copy(zeros1_hbm.at[pl.ds(sid * SL, SL)], stage)
    pltpu.sync_copy(stage, acc.at[pl.ds(sid * SL, SL)])
    pltpu.sync_copy(col_hbm.at[wid], colv)
    plsc.subcore_barrier()

    def fire(j, carry):
        pltpu.async_copy(onesv, acc.at[colv.at[j]], sem, add=True)
        return carry

    lax.fori_loop(0, NCH, fire, 0)

    def drain(j, carry):
        pltpu.make_async_copy(onesv, acc.at[colv.at[j]], sem).wait()
        return carry

    lax.fori_loop(0, NCH, drain, 0)
    plsc.subcore_barrier()
    pltpu.sync_copy(acc.at[pl.ds(sid * SL, SL)], stage)
    pltpu.sync_copy(stage, deg_out.at[pl.ds(cid * NPAD + sid * SL, SL)])


def _scatter_body(g_hbm, row_hbm, col_hbm, zeros8_hbm, s_out,
                  rowv, colv, rbuf, stage, g_sh, acc, sem, sem2):
    cid = lax.axis_index("c")
    sid = lax.axis_index("s")
    wid = cid * NS + sid
    pltpu.sync_copy(g_hbm.at[pl.ds(sid * SL, SL)], stage)
    pltpu.sync_copy(stage, g_sh.at[pl.ds(sid * SL, SL)])

    @pl.when(cid == 0)
    def _():
        pltpu.sync_copy(stage, acc.at[pl.ds(sid * SL, SL)])

    @pl.when(cid != 0)
    def _():
        pltpu.sync_copy(zeros8_hbm.at[pl.ds(sid * SL, SL)], stage)
        pltpu.sync_copy(stage, acc.at[pl.ds(sid * SL, SL)])

    pltpu.sync_copy(row_hbm.at[wid], rowv)
    pltpu.sync_copy(col_hbm.at[wid], colv)
    plsc.subcore_barrier()

    def fire(j, carry):
        pltpu.async_copy(g_sh.at[rowv.at[j]], rbuf.at[j], sem)
        return carry

    lax.fori_loop(0, NCH, fire, 0)

    def relay(j, carry):
        pltpu.make_async_copy(g_sh.at[rowv.at[j]], rbuf.at[j], sem).wait()
        pltpu.async_copy(rbuf.at[j], acc.at[colv.at[j]], sem2, add=True)
        return carry

    lax.fori_loop(0, NCH, relay, 0)

    def drain(j, carry):
        pltpu.make_async_copy(rbuf.at[j], acc.at[colv.at[j]], sem2).wait()
        return carry

    lax.fori_loop(0, NCH, drain, 0)
    plsc.subcore_barrier()
    pltpu.sync_copy(acc.at[pl.ds(sid * SL, SL)], stage)
    pltpu.sync_copy(stage, s_out.at[pl.ds(cid * NPAD + sid * SL, SL)])


def _g_body(x_ref, w_ref, d_ref, g_ref):
    hT = lax.dot_general(w_ref[...], x_ref[...], (((0,), (1,)), ((), ())),
                         preferred_element_type=jnp.float32)
    degv = d_ref[...]
    deg = degv[:NPAD] + degv[NPAD:] + 1.0
    dinv = jnp.reshape(lax.rsqrt(deg), (1, NPAD))
    g_ref[...] = jnp.pad(hT, ((0, 0), (0, NPAD - N))) * dinv


_g_call = pl.pallas_call(
    _g_body,
    out_shape=jax.ShapeDtypeStruct((C, NPAD), jnp.float32),
)


QW = NPAD * C // 128
_EXPAND = np.zeros((16, 128), np.float32)
for _k in range(16):
    _EXPAND[_k, _k * 8:(_k + 1) * 8] = 1.0
_QSEL = np.zeros((16 * NCLS, NCLS), np.float32)
for _j in range(NCLS):
    _QSEL[_j * 16:(_j + 1) * 16, _j] = 1.0
_G0 = NN * C // 128
_G1 = 2 * _G0


def _leaky(v):
    return jnp.where(v >= 0, v, SLOPE * v)


def _head_body(sp_ref, d16_ref, ex_ref, bt_ref, p_ref, b1_ref, w2l_ref,
               qs_ref, b2_ref, out_ref):
    d16 = d16_ref[0] + d16_ref[1] + 1.0
    dinv8 = jnp.dot(lax.rsqrt(d16), ex_ref[...],
                    preferred_element_type=jnp.float32)
    s = (sp_ref[0] + sp_ref[1]) * dinv8 + bt_ref[...]
    a = jnp.dot(_leaky(s), p_ref[...],
                preferred_element_type=jnp.float32) + b1_ref[0, 0]
    y = _leaky(a)
    yrep = jnp.concatenate([y] * NCLS, axis=1)
    prod = yrep * w2l_ref[...]
    rid = lax.broadcasted_iota(jnp.int32, (QW, 1), 0)
    s0 = jnp.sum(jnp.where(rid < _G0, prod, 0.0), axis=0, keepdims=True)
    s1 = jnp.sum(jnp.where((rid >= _G0) & (rid < _G1), prod, 0.0),
                 axis=0, keepdims=True)
    zrow = jnp.concatenate([s0, s1], axis=0)
    z = jnp.dot(zrow, qs_ref[...],
                preferred_element_type=jnp.float32) + b2_ref[...]
    m = jnp.max(z, axis=1, keepdims=True)
    lse = jnp.log(jnp.sum(jnp.exp(z - m), axis=1, keepdims=True)) + m
    out_ref[...] = z - lse


_head_call = pl.pallas_call(
    _head_body,
    out_shape=jax.ShapeDtypeStruct((2, NCLS), jnp.float32),
)


@functools.cache
def _sc_kernels():
    mesh = plsc.VectorSubcoreMesh(core_axis_name="c", subcore_axis_name="s",
                                  num_cores=NC, num_subcores=NS)
    deg_kernel = pl.kernel(
        _deg_body,
        out_type=jax.ShapeDtypeStruct((NC * NPAD,), jnp.float32),
        mesh=mesh,
        compiler_params=pltpu.CompilerParams(use_tc_tiling_on_sc=False),
        scratch_types=[
            pltpu.VMEM((NCH, K), jnp.int32),
            pltpu.VMEM((K,), jnp.float32),
            pltpu.VMEM((SL,), jnp.float32),
            pltpu.VMEM_SHARED((NPAD,), jnp.float32),
            pltpu.SemaphoreType.DMA,
        ],
    )
    scatter_kernel = pl.kernel(
        _scatter_body,
        out_type=jax.ShapeDtypeStruct((NC * NPAD, C), jnp.float32),
        mesh=mesh,
        compiler_params=pltpu.CompilerParams(use_tc_tiling_on_sc=False),
        scratch_types=[
            pltpu.VMEM((NCH, K), jnp.int32),
            pltpu.VMEM((NCH, K), jnp.int32),
            pltpu.VMEM((NCH, K, C), jnp.float32),
            pltpu.VMEM((SL, C), jnp.float32),
            pltpu.VMEM_SHARED((NPAD, C), jnp.float32),
            pltpu.VMEM_SHARED((NPAD, C), jnp.float32),
            pltpu.SemaphoreType.DMA,
            pltpu.SemaphoreType.DMA,
        ],
    )
    return deg_kernel, scatter_kernel


def kernel(x, edge_index, batch, W_gcn, b_gcn, W_fc1, b_fc1, W_fc2, b_fc2):
    del batch
    rowp = edge_index[0].reshape(NW, NCH, K)
    colp = edge_index[1].reshape(NW, NCH, K)
    zeros1 = jnp.zeros((NPAD,), jnp.float32)
    zeros8 = jnp.zeros((NPAD, C), jnp.float32)

    deg_kernel, scatter_kernel = _sc_kernels()
    degp = deg_kernel(colp, zeros1)
    g = _g_call(x, W_gcn, degp).T
    sp = scatter_kernel(g, rowp, colp, zeros8)
    sp_wide = sp.reshape(NC, QW, 128)
    d16p = degp.reshape(NC, QW, 16)
    bt = jnp.tile(b_gcn, 16).reshape(1, 128)
    pmat = jnp.kron(jnp.eye(16, dtype=jnp.float32), W_fc1)
    w2r = W_fc2.reshape(_G0, 16, NCLS)
    w2l = jnp.concatenate(
        [w2r, w2r, jnp.zeros((QW - _G1, 16, NCLS), jnp.float32)],
        axis=0).transpose(0, 2, 1).reshape(QW, 16 * NCLS)
    out = _head_call(sp_wide, d16p, _EXPAND, bt, pmat,
                     b_fc1.reshape(1, 1), w2l, _QSEL, b_fc2.reshape(1, NCLS))
    return out

# --- scband reference (transcript-rebuilt; emitter-appended) ---
"""Pipeline reference for scband-my-gnn-34162169872867 (READ-ONLY COPY).

The authoritative reference and input builder live on the scoring server;
editing this copy changes nothing except your own understanding.
"""

import jax, jax.numpy as jnp
import numpy as np

N_NODES = 10000
N_CLASSES = 10
NUM_FEATURES = 128
OUT_CHANNELS = 8
SLOPE = 0.01
N_TOTAL = 20000
N_EDGES = 320000


def leaky(x):
    return jnp.where(x >= 0, x, SLOPE * x)


def gcn_conv(x, edge_index, W, b):
    # GCNConv with add_self_loops=True, symmetric normalization (PyG defaults)
    N = x.shape[0]
    loop = jnp.arange(N, dtype=edge_index.dtype)
    row = jnp.concatenate([edge_index[0], loop])  # source
    col = jnp.concatenate([edge_index[1], loop])  # target (aggregation)
    deg = jnp.zeros((N,), dtype=x.dtype).at[col].add(1.0)
    dinv = jnp.where(deg > 0, 1.0 / jnp.sqrt(deg), 0.0)
    norm = dinv[row] * dinv[col]
    h = x @ W
    msg = h[row] * norm[:, None]
    out = jnp.zeros((N, h.shape[1]), dtype=x.dtype).at[col].add(msg)
    return out + b


def setup_inputs(seed: int = 0) -> dict:
    key = jax.random.key(seed)
    k1, k2, k3, k4, k5, k6, k7 = jax.random.split(key, 7)
    x = jax.random.normal(k1, (N_TOTAL, NUM_FEATURES), dtype=jnp.float32)
    edge_index = jax.random.randint(k2, (2, N_EDGES), 0, N_TOTAL, dtype=jnp.int32)
    batch = jnp.sort(jax.random.randint(k3, (N_TOTAL,), 0, 2, dtype=jnp.int32))
    W_gcn = jax.random.normal(k4, (NUM_FEATURES, OUT_CHANNELS), dtype=jnp.float32) * 0.1
    b_gcn = jnp.zeros((OUT_CHANNELS,), dtype=jnp.float32)
    W_fc1 = jax.random.normal(k5, (OUT_CHANNELS, 1), dtype=jnp.float32) * 0.1
    b_fc1 = jnp.zeros((1,), dtype=jnp.float32)
    W_fc2 = jax.random.normal(k6, (N_NODES, N_CLASSES), dtype=jnp.float32) * 0.01
    b_fc2 = jnp.zeros((N_CLASSES,), dtype=jnp.float32)
    return {"x": x, "edge_index": edge_index, "batch": batch,
            "W_gcn": W_gcn, "b_gcn": b_gcn,
            "W_fc1": W_fc1, "b_fc1": b_fc1,
            "W_fc2": W_fc2, "b_fc2": b_fc2}


def reference(x, edge_index, batch, W_gcn, b_gcn, W_fc1, b_fc1, W_fc2, b_fc2):
    batch_size = batch.shape[0] // N_NODES
    h = gcn_conv(x, edge_index, W_gcn, b_gcn)  # single GCN layer (num_layers=1)
    h = h.reshape(batch_size, N_NODES, OUT_CHANNELS)
    h = leaky(h) @ W_fc1 + b_fc1  # FC1 -> [B, n_nodes, 1]
    h = h.reshape(batch_size, N_NODES)
    h = leaky(h) @ W_fc2 + b_fc2  # FC2 -> [B, n_classes]
    return jax.nn.log_softmax(h, axis=1)

if __name__ == "__main__":
    import jax
    _d = setup_inputs()
    print(jax.jit(kernel)(*tuple(_d.values())))

</pallas_src>

<mosaic_0001>
#map = affine_map<(d0, d1) -> (0, 0)>
#map1 = affine_map<(d0, d1) -> (0, 0, 0)>
module attributes {stable_mosaic.version = 14 : i64} {
  func.func @_scatter_body(%arg0: i32, %arg1: i32, %arg2: memref<20096x8xf32, #tpu.memory_space<hbm>>, %arg3: memref<32x125x80xi32, #tpu.memory_space<hbm>>, %arg4: memref<32x125x80xi32, #tpu.memory_space<hbm>>, %arg5: memref<20096x8xf32, #tpu.memory_space<hbm>>, %arg6: memref<40192x8xf32, #tpu.memory_space<hbm>>, %arg7: memref<125x80xi32, #tpu.memory_space<vmem>>, %arg8: memref<125x80xi32, #tpu.memory_space<vmem>>, %arg9: memref<125x80x8xf32, #tpu.memory_space<vmem>>, %arg10: memref<1256x8xf32, #tpu.memory_space<vmem>>, %arg11: memref<20096x8xf32, #tpu.memory_space<vmem_shared>>, %arg12: memref<20096x8xf32, #tpu.memory_space<vmem_shared>>, %arg13: memref<!tpu.dma_semaphore, #tpu.memory_space<semaphore_mem>>, %arg14: memref<!tpu.dma_semaphore, #tpu.memory_space<semaphore_mem>>) attributes {dimension_semantics = [#tpu.dimension_semantics<core_parallel>, #tpu.dimension_semantics<subcore_parallel>], iteration_bounds = array<i64: 2, 16>, scalar_prefetch = 0 : i64, scratch_operands = 8 : i64, tpu.core_type = #tpu.core_type<sc_vector_subcore>, window_params = [{transform_indices = #map}, {transform_indices = #map1}, {transform_indices = #map1}, {transform_indices = #map}, {transform_indices = #map}]} {
    %mul3A = arith.constant 16 : i32
    %mul3A_0 = arith.muli %arg0, %mul3A : i32
    %add3A = arith.addi %mul3A_0, %arg1 : i32
    %mul3A_1 = arith.constant 1256 : i32
    %mul3A_2 = arith.muli %arg1, %mul3A_1 : i32
    "tpu.region"() ({
      %run_scoped3A = tpu.sem_alloc : memref<!tpu.dma_semaphore, #tpu.memory_space<semaphore_mem>>
      %dma_start3A = arith.constant 0 : i32
      %dma_start3A_36 = tpu.memref_slice %arg2[%mul3A_2, %dma_start3A] : memref<20096x8xf32, #tpu.memory_space<hbm>> -> memref<1256x8xf32, #tpu.memory_space<hbm>>
      %dma_start3A_37 = arith.constant 0 : i32
      %dma_start3A_38 = tpu.memref_slice %arg2[%mul3A_2, %dma_start3A_37] : memref<20096x8xf32, #tpu.memory_space<hbm>> -> memref<1256x8xf32, #tpu.memory_space<hbm>>
      tpu.enqueue_dma source(%dma_start3A_38 : memref<1256x8xf32, #tpu.memory_space<hbm>>) target(%arg10 : memref<1256x8xf32, #tpu.memory_space<vmem>>) target_semaphore(%run_scoped3A : memref<!tpu.dma_semaphore, #tpu.memory_space<semaphore_mem>>)
      %dma_wait3A = arith.constant 0 : i32
      %dma_wait3A_39 = tpu.memref_slice %arg2[%mul3A_2, %dma_wait3A] : memref<20096x8xf32, #tpu.memory_space<hbm>> -> memref<1256x8xf32, #tpu.memory_space<hbm>>
      %dma_wait3A_40 = arith.constant 0 : i32
      %dma_wait3A_41 = tpu.memref_slice %arg2[%mul3A_2, %dma_wait3A_40] : memref<20096x8xf32, #tpu.memory_space<hbm>> -> memref<1256x8xf32, #tpu.memory_space<hbm>>
      tpu.wait_dma2 semaphore(%run_scoped3A : memref<!tpu.dma_semaphore, #tpu.memory_space<semaphore_mem>>) src(%dma_wait3A_41 : memref<1256x8xf32, #tpu.memory_space<hbm>>) dst(%arg10 : memref<1256x8xf32, #tpu.memory_space<vmem>>)
      tpu.yield
    }) : () -> ()
    %mul3A_3 = arith.constant 1256 : i32
    %mul3A_4 = arith.muli %arg1, %mul3A_3 : i32
    "tpu.region"() ({
      %run_scoped3A = tpu.sem_alloc : memref<!tpu.dma_semaphore, #tpu.memory_space<semaphore_mem>>
      %dma_start3A = arith.constant 0 : i32
      %dma_start3A_36 = tpu.memref_slice %arg11[%mul3A_4, %dma_start3A] : memref<20096x8xf32, #tpu.memory_space<vmem_shared>> -> memref<1256x8xf32, #tpu.memory_space<vmem_shared>>
      %dma_start3A_37 = arith.constant 0 : i32
      %dma_start3A_38 = tpu.memref_slice %arg11[%mul3A_4, %dma_start3A_37] : memref<20096x8xf32, #tpu.memory_space<vmem_shared>> -> memref<1256x8xf32, #tpu.memory_space<vmem_shared>>
      tpu.enqueue_dma source(%arg10 : memref<1256x8xf32, #tpu.memory_space<vmem>>) target(%dma_start3A_38 : memref<1256x8xf32, #tpu.memory_space<vmem_shared>>) target_semaphore(%run_scoped3A : memref<!tpu.dma_semaphore, #tpu.memory_space<semaphore_mem>>)
      %dma_wait3A = arith.constant 0 : i32
      %dma_wait3A_39 = tpu.memref_slice %arg11[%mul3A_4, %dma_wait3A] : memref<20096x8xf32, #tpu.memory_space<vmem_shared>> -> memref<1256x8xf32, #tpu.memory_space<vmem_shared>>
      %dma_wait3A_40 = arith.constant 0 : i32
      %dma_wait3A_41 = tpu.memref_slice %arg11[%mul3A_4, %dma_wait3A_40] : memref<20096x8xf32, #tpu.memory_space<vmem_shared>> -> memref<1256x8xf32, #tpu.memory_space<vmem_shared>>
      tpu.wait_dma2 semaphore(%run_scoped3A : memref<!tpu.dma_semaphore, #tpu.memory_space<semaphore_mem>>) src(%arg10 : memref<1256x8xf32, #tpu.memory_space<vmem>>) dst(%dma_wait3A_41 : memref<1256x8xf32, #tpu.memory_space<vmem_shared>>)
      tpu.yield
    }) : () -> ()
    %eq3A = arith.constant 0 : i32
    %eq3A_5 = arith.cmpi eq, %arg0, %eq3A : i32
    %convert_element_type3A = arith.extui %eq3A_5 : i1 to i32
    %cond3A = arith.constant 0 : i32
    %cond3A_6 = arith.cmpi ne, %convert_element_type3A, %cond3A : i32
    scf.if %cond3A_6 {
      %mul3A_36 = arith.constant 1256 : i32
      %mul3A_37 = arith.muli %arg1, %mul3A_36 : i32
      "tpu.region"() ({
        %run_scoped3A = tpu.sem_alloc : memref<!tpu.dma_semaphore, #tpu.memory_space<semaphore_mem>>
        %dma_start3A = arith.constant 0 : i32
        %dma_start3A_38 = tpu.memref_slice %arg12[%mul3A_37, %dma_start3A] : memref<20096x8xf32, #tpu.memory_space<vmem_shared>> -> memref<1256x8xf32, #tpu.memory_space<vmem_shared>>
        %dma_start3A_39 = arith.constant 0 : i32
        %dma_start3A_40 = tpu.memref_slice %arg12[%mul3A_37, %dma_start3A_39] : memref<20096x8xf32, #tpu.memory_space<vmem_shared>> -> memref<1256x8xf32, #tpu.memory_space<vmem_shared>>
        tpu.enqueue_dma source(%arg10 : memref<1256x8xf32, #tpu.memory_space<vmem>>) target(%dma_start3A_40 : memref<1256x8xf32, #tpu.memory_space<vmem_shared>>) target_semaphore(%run_scoped3A : memref<!tpu.dma_semaphore, #tpu.memory_space<semaphore_mem>>)
        %dma_wait3A = arith.constant 0 : i32
        %dma_wait3A_41 = tpu.memref_slice %arg12[%mul3A_37, %dma_wait3A] : memref<20096x8xf32, #tpu.memory_space<vmem_shared>> -> memref<1256x8xf32, #tpu.memory_space<vmem_shared>>
        %dma_wait3A_42 = arith.constant 0 : i32
        %dma_wait3A_43 = tpu.memref_slice %arg12[%mul3A_37, %dma_wait3A_42] : memref<20096x8xf32, #tpu.memory_space<vmem_shared>> -> memref<1256x8xf32, #tpu.memory_space<vmem_shared>>
        tpu.wait_dma2 semaphore(%run_scoped3A : memref<!tpu.dma_semaphore, #tpu.memory_space<semaphore_mem>>) src(%arg10 : memref<1256x8xf32, #tpu.memory_space<vmem>>) dst(%dma_wait3A_43 : memref<1256x8xf32, #tpu.memory_space<vmem_shared>>)
        tpu.yield
      }) : () -> ()
    } else {
    }
    %ne3A = arith.constant 0 : i32
    %ne3A_7 = arith.cmpi ne, %arg0, %ne3A : i32
    %convert_element_type3A_8 = arith.extui %ne3A_7 : i1 to i32
    %cond3A_9 = arith.constant 0 : i32
    %cond3A_10 = arith.cmpi ne, %convert_element_type3A_8, %cond3A_9 : i32
    scf.if %cond3A_10 {
      %mul3A_36 = arith.constant 1256 : i32
      %mul3A_37 = arith.muli %arg1, %mul3A_36 : i32
      "tpu.region"() ({
        %run_scoped3A = tpu.sem_alloc : memref<!tpu.dma_semaphore, #tpu.memory_space<semaphore_mem>>
        %dma_start3A = arith.constant 0 : i32
        %dma_start3A_40 = tpu.memref_slice %arg5[%mul3A_37, %dma_start3A] : memref<20096x8xf32, #tpu.memory_space<hbm>> -> memref<1256x8xf32, #tpu.memory_space<hbm>>
        %dma_start3A_41 = arith.constant 0 : i32
        %dma_start3A_42 = tpu.memref_slice %arg5[%mul3A_37, %dma_start3A_41] : memref<20096x8xf32, #tpu.memory_space<hbm>> -> memref<1256x8xf32, #tpu.memory_space<hbm>>
        tpu.enqueue_dma source(%dma_start3A_42 : memref<1256x8xf32, #tpu.memory_space<hbm>>) target(%arg10 : memref<1256x8xf32, #tpu.memory_space<vmem>>) target_semaphore(%run_scoped3A : memref<!tpu.dma_semaphore, #tpu.memory_space<semaphore_mem>>)
        %dma_wait3A = arith.constant 0 : i32
        %dma_wait3A_43 = tpu.memref_slice %arg5[%mul3A_37, %dma_wait3A] : memref<20096x8xf32, #tpu.memory_space<hbm>> -> memref<1256x8xf32, #tpu.memory_space<hbm>>
        %dma_wait3A_44 = arith.constant 0 : i32
        %dma_wait3A_45 = tpu.memref_slice %arg5[%mul3A_37, %dma_wait3A_44] : memref<20096x8xf32, #tpu.memory_space<hbm>> -> memref<1256x8xf32, #tpu.memory_space<hbm>>
        tpu.wait_dma2 semaphore(%run_scoped3A : memref<!tpu.dma_semaphore, #tpu.memory_space<semaphore_mem>>) src(%dma_wait3A_45 : memref<1256x8xf32, #tpu.memory_space<hbm>>) dst(%arg10 : memref<1256x8xf32, #tpu.memory_space<vmem>>)
        tpu.yield
      }) : () -> ()
      %mul3A_38 = arith.constant 1256 : i32
      %mul3A_39 = arith.muli %arg1, %mul3A_38 : i32
      "tpu.region"() ({
        %run_scoped3A = tpu.sem_alloc : memref<!tpu.dma_semaphore, #tpu.memory_space<semaphore_mem>>
        %dma_start3A = arith.constant 0 : i32
        %dma_start3A_40 = tpu.memref_slice %arg12[%mul3A_39, %dma_start3A] : memref<20096x8xf32, #tpu.memory_space<vmem_shared>> -> memref<1256x8xf32, #tpu.memory_space<vmem_shared>>
        %dma_start3A_41 = arith.constant 0 : i32
        %dma_start3A_42 = tpu.memref_slice %arg12[%mul3A_39, %dma_start3A_41] : memref<20096x8xf32, #tpu.memory_space<vmem_shared>> -> memref<1256x8xf32, #tpu.memory_space<vmem_shared>>
        tpu.enqueue_dma source(%arg10 : memref<1256x8xf32, #tpu.memory_space<vmem>>) target(%dma_start3A_42 : memref<1256x8xf32, #tpu.memory_space<vmem_shared>>) target_semaphore(%run_scoped3A : memref<!tpu.dma_semaphore, #tpu.memory_space<semaphore_mem>>)
        %dma_wait3A = arith.constant 0 : i32
        %dma_wait3A_43 = tpu.memref_slice %arg12[%mul3A_39, %dma_wait3A] : memref<20096x8xf32, #tpu.memory_space<vmem_shared>> -> memref<1256x8xf32, #tpu.memory_space<vmem_shared>>
        %dma_wait3A_44 = arith.constant 0 : i32
        %dma_wait3A_45 = tpu.memref_slice %arg12[%mul3A_39, %dma_wait3A_44] : memref<20096x8xf32, #tpu.memory_space<vmem_shared>> -> memref<1256x8xf32, #tpu.memory_space<vmem_shared>>
        tpu.wait_dma2 semaphore(%run_scoped3A : memref<!tpu.dma_semaphore, #tpu.memory_space<semaphore_mem>>) src(%arg10 : memref<1256x8xf32, #tpu.memory_space<vmem>>) dst(%dma_wait3A_45 : memref<1256x8xf32, #tpu.memory_space<vmem_shared>>)
        tpu.yield
      }) : () -> ()
    } else {
    }
    "tpu.region"() ({
      %run_scoped3A = tpu.sem_alloc : memref<!tpu.dma_semaphore, #tpu.memory_space<semaphore_mem>>
      %dma_start3A = arith.constant 0 : i32
      %dma_start3A_36 = arith.constant 0 : i32
      %dma_start3A_37 = tpu.memref_slice %arg3[%add3A, %dma_start3A, %dma_start3A_36] : memref<32x125x80xi32, #tpu.memory_space<hbm>> -> memref<1x125x80xi32, #tpu.memory_space<hbm>>
      %dma_start3A_38 = tpu.memref_squeeze %dma_start3A_37 : memref<1x125x80xi32, #tpu.memory_space<hbm>> -> memref<125x80xi32, #tpu.memory_space<hbm>>
      %dma_start3A_39 = arith.constant 0 : i32
      %dma_start3A_40 = arith.constant 0 : i32
      %dma_start3A_41 = tpu.memref_slice %arg3[%add3A, %dma_start3A_39, %dma_start3A_40] : memref<32x125x80xi32, #tpu.memory_space<hbm>> -> memref<1x125x80xi32, #tpu.memory_space<hbm>>
      %dma_start3A_42 = tpu.memref_squeeze %dma_start3A_41 : memref<1x125x80xi32, #tpu.memory_space<hbm>> -> memref<125x80xi32, #tpu.memory_space<hbm>>
      tpu.enqueue_dma source(%dma_start3A_42 : memref<125x80xi32, #tpu.memory_space<hbm>>) target(%arg7 : memref<125x80xi32, #tpu.memory_space<vmem>>) target_semaphore(%run_scoped3A : memref<!tpu.dma_semaphore, #tpu.memory_space<semaphore_mem>>)
      %dma_wait3A = arith.constant 0 : i32
      %dma_wait3A_43 = arith.constant 0 : i32
      %dma_wait3A_44 = tpu.memref_slice %arg3[%add3A, %dma_wait3A, %dma_wait3A_43] : memref<32x125x80xi32, #tpu.memory_space<hbm>> -> memref<1x125x80xi32, #tpu.memory_space<hbm>>
      %dma_wait3A_45 = tpu.memref_squeeze %dma_wait3A_44 : memref<1x125x80xi32, #tpu.memory_space<hbm>> -> memref<125x80xi32, #tpu.memory_space<hbm>>
      %dma_wait3A_46 = arith.constant 0 : i32
      %dma_wait3A_47 = arith.constant 0 : i32
      %dma_wait3A_48 = tpu.memref_slice %arg3[%add3A, %dma_wait3A_46, %dma_wait3A_47] : memref<32x125x80xi32, #tpu.memory_space<hbm>> -> memref<1x125x80xi32, #tpu.memory_space<hbm>>
      %dma_wait3A_49 = tpu.memref_squeeze %dma_wait3A_48 : memref<1x125x80xi32, #tpu.memory_space<hbm>> -> memref<125x80xi32, #tpu.memory_space<hbm>>
      tpu.wait_dma2 semaphore(%run_scoped3A : memref<!tpu.dma_semaphore, #tpu.memory_space<semaphore_mem>>) src(%dma_wait3A_49 : memref<125x80xi32, #tpu.memory_space<hbm>>) dst(%arg7 : memref<125x80xi32, #tpu.memory_space<vmem>>)
      tpu.yield
    }) : () -> ()
    "tpu.region"() ({
      %run_scoped3A = tpu.sem_alloc : memref<!tpu.dma_semaphore, #tpu.memory_space<semaphore_mem>>
      %dma_start3A = arith.constant 0 : i32
      %dma_start3A_36 = arith.constant 0 : i32
      %dma_start3A_37 = tpu.memref_slice %arg4[%add3A, %dma_start3A, %dma_start3A_36] : memref<32x125x80xi32, #tpu.memory_space<hbm>> -> memref<1x125x80xi32, #tpu.memory_space<hbm>>
      %dma_start3A_38 = tpu.memref_squeeze %dma_start3A_37 : memref<1x125x80xi32, #tpu.memory_space<hbm>> -> memref<125x80xi32, #tpu.memory_space<hbm>>
      %dma_start3A_39 = arith.constant 0 : i32
      %dma_start3A_40 = arith.constant 0 : i32
      %dma_start3A_41 = tpu.memref_slice %arg4[%add3A, %dma_start3A_39, %dma_start3A_40] : memref<32x125x80xi32, #tpu.memory_space<hbm>> -> memref<1x125x80xi32, #tpu.memory_space<hbm>>
      %dma_start3A_42 = tpu.memref_squeeze %dma_start3A_41 : memref<1x125x80xi32, #tpu.memory_space<hbm>> -> memref<125x80xi32, #tpu.memory_space<hbm>>
      tpu.enqueue_dma source(%dma_start3A_42 : memref<125x80xi32, #tpu.memory_space<hbm>>) target(%arg8 : memref<125x80xi32, #tpu.memory_space<vmem>>) target_semaphore(%run_scoped3A : memref<!tpu.dma_semaphore, #tpu.memory_space<semaphore_mem>>)
      %dma_wait3A = arith.constant 0 : i32
      %dma_wait3A_43 = arith.constant 0 : i32
      %dma_wait3A_44 = tpu.memref_slice %arg4[%add3A, %dma_wait3A, %dma_wait3A_43] : memref<32x125x80xi32, #tpu.memory_space<hbm>> -> memref<1x125x80xi32, #tpu.memory_space<hbm>>
      %dma_wait3A_45 = tpu.memref_squeeze %dma_wait3A_44 : memref<1x125x80xi32, #tpu.memory_space<hbm>> -> memref<125x80xi32, #tpu.memory_space<hbm>>
      %dma_wait3A_46 = arith.constant 0 : i32
      %dma_wait3A_47 = arith.constant 0 : i32
      %dma_wait3A_48 = tpu.memref_slice %arg4[%add3A, %dma_wait3A_46, %dma_wait3A_47] : memref<32x125x80xi32, #tpu.memory_space<hbm>> -> memref<1x125x80xi32, #tpu.memory_space<hbm>>
      %dma_wait3A_49 = tpu.memref_squeeze %dma_wait3A_48 : memref<1x125x80xi32, #tpu.memory_space<hbm>> -> memref<125x80xi32, #tpu.memory_space<hbm>>
      tpu.wait_dma2 semaphore(%run_scoped3A : memref<!tpu.dma_semaphore, #tpu.memory_space<semaphore_mem>>) src(%dma_wait3A_49 : memref<125x80xi32, #tpu.memory_space<hbm>>) dst(%arg8 : memref<125x80xi32, #tpu.memory_space<vmem>>)
      tpu.yield
    }) : () -> ()
    %barrier3A = arith.constant 0 : index
    tpu.barrier barrier_id(%barrier3A)
    %scan3A = arith.constant 0 : i32
    %scan3A_11 = arith.constant 0 : i32
    %scan3A_12 = arith.constant 125 : i32
    %scan3A_13 = arith.addi %scan3A_11, %scan3A_12 : i32
    %scan3A_14 = arith.constant 1 : i32
    scf.for %scan3A_36 = %scan3A_11 to %scan3A_13 step %scan3A_14  : i32 {
      %dma_start3A = arith.constant 0 : i32
      %dma_start3A_37 = arith.constant 0 : i32
      %dma_start3A_38 = tpu.memref_slice %arg9[%scan3A_36, %dma_start3A, %dma_start3A_37] : memref<125x80x8xf32, #tpu.memory_space<vmem>> -> memref<1x80x8xf32, #tpu.memory_space<vmem>>
      %dma_start3A_39 = tpu.memref_squeeze %dma_start3A_38 : memref<1x80x8xf32, #tpu.memory_space<vmem>> -> memref<80x8xf32, #tpu.memory_space<vmem>>
      %dma_start3A_40 = arith.constant 0 : i32
      %dma_start3A_41 = tpu.memref_slice %arg7[%scan3A_36, %dma_start3A_40] : memref<125x80xi32, #tpu.memory_space<vmem>> -> memref<1x80xi32, #tpu.memory_space<vmem>>
      %dma_start3A_42 = tpu.memref_squeeze %dma_start3A_41 : memref<1x80xi32, #tpu.memory_space<vmem>> -> memref<80xi32, #tpu.memory_space<vmem>>
      %dma_start3A_43 = arith.constant 0 : i32
      %dma_start3A_44 = arith.constant 0 : i32
      %dma_start3A_45 = tpu.memref_slice %arg11[%dma_start3A_43, %dma_start3A_44] : memref<20096x8xf32, #tpu.memory_space<vmem_shared>> -> memref<20096x8xf32, #tpu.memory_space<vmem_shared>>
      tpu.enqueue_indirect_dma source(%dma_start3A_45 : memref<20096x8xf32, #tpu.memory_space<vmem_shared>>) target(%dma_start3A_39 : memref<80x8xf32, #tpu.memory_space<vmem>>) offsets(%dma_start3A_42 : memref<80xi32, #tpu.memory_space<vmem>>) semaphore(%arg13 : memref<!tpu.dma_semaphore, #tpu.memory_space<semaphore_mem>>)
    }
    %scan3A_15 = arith.constant 125 : i32
    %scan3A_16 = arith.constant 0 : i32
    %scan3A_17 = arith.constant 0 : i32
    %scan3A_18 = arith.constant 125 : i32
    %scan3A_19 = arith.addi %scan3A_17, %scan3A_18 : i32
    %scan3A_20 = arith.constant 1 : i32
    scf.for %scan3A_36 = %scan3A_17 to %scan3A_19 step %scan3A_20  : i32 {
      %dma_wait3A = arith.constant 0 : i32
      %dma_wait3A_37 = arith.constant 0 : i32
      %dma_wait3A_38 = tpu.memref_slice %arg9[%scan3A_36, %dma_wait3A, %dma_wait3A_37] : memref<125x80x8xf32, #tpu.memory_space<vmem>> -> memref<1x80x8xf32, #tpu.memory_space<vmem>>
      %dma_wait3A_39 = tpu.memref_squeeze %dma_wait3A_38 : memref<1x80x8xf32, #tpu.memory_space<vmem>> -> memref<80x8xf32, #tpu.memory_space<vmem>>
      %dma_wait3A_40 = arith.constant 0 : i32
      %dma_wait3A_41 = tpu.memref_slice %arg7[%scan3A_36, %dma_wait3A_40] : memref<125x80xi32, #tpu.memory_space<vmem>> -> memref<1x80xi32, #tpu.memory_space<vmem>>
      %dma_wait3A_42 = tpu.memref_squeeze %dma_wait3A_41 : memref<1x80xi32, #tpu.memory_space<vmem>> -> memref<80xi32, #tpu.memory_space<vmem>>
      %dma_wait3A_43 = arith.constant 0 : i32
      %dma_wait3A_44 = arith.constant 0 : i32
      %dma_wait3A_45 = tpu.memref_slice %arg11[%dma_wait3A_43, %dma_wait3A_44] : memref<20096x8xf32, #tpu.memory_space<vmem_shared>> -> memref<20096x8xf32, #tpu.memory_space<vmem_shared>>
      tpu.wait_indirect_dma semaphore(%arg13 : memref<!tpu.dma_semaphore, #tpu.memory_space<semaphore_mem>>) src(%dma_wait3A_45 : memref<20096x8xf32, #tpu.memory_space<vmem_shared>>) dst(%dma_wait3A_39 : memref<80x8xf32, #tpu.memory_space<vmem>>)
      %dma_start3A = arith.constant 0 : i32
      %dma_start3A_46 = arith.constant 0 : i32
      %dma_start3A_47 = tpu.memref_slice %arg9[%scan3A_36, %dma_start3A, %dma_start3A_46] : memref<125x80x8xf32, #tpu.memory_space<vmem>> -> memref<1x80x8xf32, #tpu.memory_space<vmem>>
      %dma_start3A_48 = tpu.memref_squeeze %dma_start3A_47 : memref<1x80x8xf32, #tpu.memory_space<vmem>> -> memref<80x8xf32, #tpu.memory_space<vmem>>
      %dma_start3A_49 = arith.constant 0 : i32
      %dma_start3A_50 = tpu.memref_slice %arg8[%scan3A_36, %dma_start3A_49] : memref<125x80xi32, #tpu.memory_space<vmem>> -> memref<1x80xi32, #tpu.memory_space<vmem>>
      %dma_start3A_51 = tpu.memref_squeeze %dma_start3A_50 : memref<1x80xi32, #tpu.memory_space<vmem>> -> memref<80xi32, #tpu.memory_space<vmem>>
      %dma_start3A_52 = arith.constant 0 : i32
      %dma_start3A_53 = arith.constant 0 : i32
      %dma_start3A_54 = tpu.memref_slice %arg12[%dma_start3A_52, %dma_start3A_53] : memref<20096x8xf32, #tpu.memory_space<vmem_shared>> -> memref<20096x8xf32, #tpu.memory_space<vmem_shared>>
      tpu.enqueue_indirect_dma source(%dma_start3A_48 : memref<80x8xf32, #tpu.memory_space<vmem>>) target(%dma_start3A_54 : memref<20096x8xf32, #tpu.memory_space<vmem_shared>>) offsets(%dma_start3A_51 : memref<80xi32, #tpu.memory_space<vmem>>) semaphore(%arg14 : memref<!tpu.dma_semaphore, #tpu.memory_space<semaphore_mem>>) {add = true}
    }
    %scan3A_21 = arith.constant 125 : i32
    %scan3A_22 = arith.constant 0 : i32
    %scan3A_23 = arith.constant 0 : i32
    %scan3A_24 = arith.constant 125 : i32
    %scan3A_25 = arith.addi %scan3A_23, %scan3A_24 : i32
    %scan3A_26 = arith.constant 1 : i32
    scf.for %scan3A_36 = %scan3A_23 to %scan3A_25 step %scan3A_26  : i32 {
      %dma_wait3A = arith.constant 0 : i32
      %dma_wait3A_37 = arith.constant 0 : i32
      %dma_wait3A_38 = tpu.memref_slice %arg9[%scan3A_36, %dma_wait3A, %dma_wait3A_37] : memref<125x80x8xf32, #tpu.memory_space<vmem>> -> memref<1x80x8xf32, #tpu.memory_space<vmem>>
      %dma_wait3A_39 = tpu.memref_squeeze %dma_wait3A_38 : memref<1x80x8xf32, #tpu.memory_space<vmem>> -> memref<80x8xf32, #tpu.memory_space<vmem>>
      %dma_wait3A_40 = arith.constant 0 : i32
      %dma_wait3A_41 = tpu.memref_slice %arg8[%scan3A_36, %dma_wait3A_40] : memref<125x80xi32, #tpu.memory_space<vmem>> -> memref<1x80xi32, #tpu.memory_space<vmem>>
      %dma_wait3A_42 = tpu.memref_squeeze %dma_wait3A_41 : memref<1x80xi32, #tpu.memory_space<vmem>> -> memref<80xi32, #tpu.memory_space<vmem>>
      %dma_wait3A_43 = arith.constant 0 : i32
      %dma_wait3A_44 = arith.constant 0 : i32
      %dma_wait3A_45 = tpu.memref_slice %arg12[%dma_wait3A_43, %dma_wait3A_44] : memref<20096x8xf32, #tpu.memory_space<vmem_shared>> -> memref<20096x8xf32, #tpu.memory_space<vmem_shared>>
      tpu.wait_indirect_dma semaphore(%arg14 : memref<!tpu.dma_semaphore, #tpu.memory_space<semaphore_mem>>) src(%dma_wait3A_39 : memref<80x8xf32, #tpu.memory_space<vmem>>) dst(%dma_wait3A_45 : memref<20096x8xf32, #tpu.memory_space<vmem_shared>>)
    }
    %scan3A_27 = arith.constant 125 : i32
    %barrier3A_28 = arith.constant 0 : index
    tpu.barrier barrier_id(%barrier3A_28)
    %mul3A_29 = arith.constant 1256 : i32
    %mul3A_30 = arith.muli %arg1, %mul3A_29 : i32
    "tpu.region"() ({
      %run_scoped3A = tpu.sem_alloc : memref<!tpu.dma_semaphore, #tpu.memory_space<semaphore_mem>>
      %dma_start3A = arith.constant 0 : i32
      %dma_start3A_36 = tpu.memref_slice %arg12[%mul3A_30, %dma_start3A] : memref<20096x8xf32, #tpu.memory_space<vmem_shared>> -> memref<1256x8xf32, #tpu.memory_space<vmem_shared>>
      %dma_start3A_37 = arith.constant 0 : i32
      %dma_start3A_38 = tpu.memref_slice %arg12[%mul3A_30, %dma_start3A_37] : memref<20096x8xf32, #tpu.memory_space<vmem_shared>> -> memref<1256x8xf32, #tpu.memory_space<vmem_shared>>
      tpu.enqueue_dma source(%dma_start3A_38 : memref<1256x8xf32, #tpu.memory_space<vmem_shared>>) target(%arg10 : memref<1256x8xf32, #tpu.memory_space<vmem>>) target_semaphore(%run_scoped3A : memref<!tpu.dma_semaphore, #tpu.memory_space<semaphore_mem>>)
      %dma_wait3A = arith.constant 0 : i32
      %dma_wait3A_39 = tpu.memref_slice %arg12[%mul3A_30, %dma_wait3A] : memref<20096x8xf32, #tpu.memory_space<vmem_shared>> -> memref<1256x8xf32, #tpu.memory_space<vmem_shared>>
      %dma_wait3A_40 = arith.constant 0 : i32
      %dma_wait3A_41 = tpu.memref_slice %arg12[%mul3A_30, %dma_wait3A_40] : memref<20096x8xf32, #tpu.memory_space<vmem_shared>> -> memref<1256x8xf32, #tpu.memory_space<vmem_shared>>
      tpu.wait_dma2 semaphore(%run_scoped3A : memref<!tpu.dma_semaphore, #tpu.memory_space<semaphore_mem>>) src(%dma_wait3A_41 : memref<1256x8xf32, #tpu.memory_space<vmem_shared>>) dst(%arg10 : memref<1256x8xf32, #tpu.memory_space<vmem>>)
      tpu.yield
    }) : () -> ()
    %mul3A_31 = arith.constant 20096 : i32
    %mul3A_32 = arith.muli %arg0, %mul3A_31 : i32
    %mul3A_33 = arith.constant 1256 : i32
    %mul3A_34 = arith.muli %arg1, %mul3A_33 : i32
    %add3A_35 = arith.addi %mul3A_32, %mul3A_34 : i32
    "tpu.region"() ({
      %run_scoped3A = tpu.sem_alloc : memref<!tpu.dma_semaphore, #tpu.memory_space<semaphore_mem>>
      %dma_start3A = arith.constant 0 : i32
      %dma_start3A_36 = tpu.memref_slice %arg6[%add3A_35, %dma_start3A] : memref<40192x8xf32, #tpu.memory_space<hbm>> -> memref<1256x8xf32, #tpu.memory_space<hbm>>
      %dma_start3A_37 = arith.constant 0 : i32
      %dma_start3A_38 = tpu.memref_slice %arg6[%add3A_35, %dma_start3A_37] : memref<40192x8xf32, #tpu.memory_space<hbm>> -> memref<1256x8xf32, #tpu.memory_space<hbm>>
      tpu.enqueue_dma source(%arg10 : memref<1256x8xf32, #tpu.memory_space<vmem>>) target(%dma_start3A_38 : memref<1256x8xf32, #tpu.memory_space<hbm>>) target_semaphore(%run_scoped3A : memref<!tpu.dma_semaphore, #tpu.memory_space<semaphore_mem>>)
      %dma_wait3A = arith.constant 0 : i32
      %dma_wait3A_39 = tpu.memref_slice %arg6[%add3A_35, %dma_wait3A] : memref<40192x8xf32, #tpu.memory_space<hbm>> -> memref<1256x8xf32, #tpu.memory_space<hbm>>
      %dma_wait3A_40 = arith.constant 0 : i32
      %dma_wait3A_41 = tpu.memref_slice %arg6[%add3A_35, %dma_wait3A_40] : memref<40192x8xf32, #tpu.memory_space<hbm>> -> memref<1256x8xf32, #tpu.memory_space<hbm>>
      tpu.wait_dma2 semaphore(%run_scoped3A : memref<!tpu.dma_semaphore, #tpu.memory_space<semaphore_mem>>) src(%arg10 : memref<1256x8xf32, #tpu.memory_space<vmem>>) dst(%dma_wait3A_41 : memref<1256x8xf32, #tpu.memory_space<hbm>>)
      tpu.yield
    }) : () -> ()
    return
  }
}

#map = affine_map<(d0, d1) -> (0, 0, 0)>
#map1 = affine_map<(d0, d1) -> (0)>
module attributes {stable_mosaic.version = 14 : i64} {
  func.func @_deg_body(%arg0: i32, %arg1: i32, %arg2: memref<32x125x80xi32, #tpu.memory_space<hbm>>, %arg3: memref<20096xf32, #tpu.memory_space<hbm>>, %arg4: memref<40192xf32, #tpu.memory_space<hbm>>, %arg5: memref<125x80xi32, #tpu.memory_space<vmem>>, %arg6: memref<80xf32, #tpu.memory_space<vmem>>, %arg7: memref<1256xf32, #tpu.memory_space<vmem>>, %arg8: memref<20096xf32, #tpu.memory_space<vmem_shared>>, %arg9: memref<!tpu.dma_semaphore, #tpu.memory_space<semaphore_mem>>) attributes {dimension_semantics = [#tpu.dimension_semantics<core_parallel>, #tpu.dimension_semantics<subcore_parallel>], iteration_bounds = array<i64: 2, 16>, scalar_prefetch = 0 : i64, scratch_operands = 5 : i64, tpu.core_type = #tpu.core_type<sc_vector_subcore>, window_params = [{transform_indices = #map}, {transform_indices = #map1}, {transform_indices = #map1}]} {
    %mul3A = arith.constant 16 : i32
    %mul3A_0 = arith.muli %arg0, %mul3A : i32
    %add3A = arith.addi %mul3A_0, %arg1 : i32
    %broadcast_in_dim3A = arith.constant 1.000000e+00 : f32
    %broadcast_in_dim3A_1 = vector.broadcast %broadcast_in_dim3A : f32 to vector<16xf32>
    %swap3A = arith.constant 0 : index
    %swap3A_2 = tpu.vector_load %arg6[%swap3A] {strides = array<i32>} : memref<80xf32, #tpu.memory_space<vmem>>, vector<16xf32>,
    %swap3A_3 = vector.shape_cast %swap3A_2 : vector<16xf32> to vector<16xf32>
    %swap3A_4 = vector.shape_cast %broadcast_in_dim3A_1 : vector<16xf32> to vector<16xf32>
    tpu.vector_store %arg6[%swap3A], %swap3A_4 {strides = array<i32>} : memref<80xf32, #tpu.memory_space<vmem>>, vector<16xf32>,
    %broadcast_in_dim3A_5 = arith.constant 1.000000e+00 : f32
    %broadcast_in_dim3A_6 = vector.broadcast %broadcast_in_dim3A_5 : f32 to vector<16xf32>
    %swap3A_7 = arith.constant 16 : index
    %swap3A_8 = tpu.vector_load %arg6[%swap3A_7] {strides = array<i32>} : memref<80xf32, #tpu.memory_space<vmem>>, vector<16xf32>,
    %swap3A_9 = vector.shape_cast %swap3A_8 : vector<16xf32> to vector<16xf32>
    %swap3A_10 = vector.shape_cast %broadcast_in_dim3A_6 : vector<16xf32> to vector<16xf32>
    tpu.vector_store %arg6[%swap3A_7], %swap3A_10 {strides = array<i32>} : memref<80xf32, #tpu.memory_space<vmem>>, vector<16xf32>,
    %broadcast_in_dim3A_11 = arith.constant 1.000000e+00 : f32
    %broadcast_in_dim3A_12 = vector.broadcast %broadcast_in_dim3A_11 : f32 to vector<16xf32>
    %swap3A_13 = arith.constant 32 : index
    %swap3A_14 = tpu.vector_load %arg6[%swap3A_13] {strides = array<i32>} : memref<80xf32, #tpu.memory_space<vmem>>, vector<16xf32>,
    %swap3A_15 = vector.shape_cast %swap3A_14 : vector<16xf32> to vector<16xf32>
    %swap3A_16 = vector.shape_cast %broadcast_in_dim3A_12 : vector<16xf32> to vector<16xf32>
    tpu.vector_store %arg6[%swap3A_13], %swap3A_16 {strides = array<i32>} : memref<80xf32, #tpu.memory_space<vmem>>, vector<16xf32>,
    %broadcast_in_dim3A_17 = arith.constant 1.000000e+00 : f32
    %broadcast_in_dim3A_18 = vector.broadcast %broadcast_in_dim3A_17 : f32 to vector<16xf32>
    %swap3A_19 = arith.constant 48 : index
    %swap3A_20 = tpu.vector_load %arg6[%swap3A_19] {strides = array<i32>} : memref<80xf32, #tpu.memory_space<vmem>>, vector<16xf32>,
    %swap3A_21 = vector.shape_cast %swap3A_20 : vector<16xf32> to vector<16xf32>
    %swap3A_22 = vector.shape_cast %broadcast_in_dim3A_18 : vector<16xf32> to vector<16xf32>
    tpu.vector_store %arg6[%swap3A_19], %swap3A_22 {strides = array<i32>} : memref<80xf32, #tpu.memory_space<vmem>>, vector<16xf32>,
    %broadcast_in_dim3A_23 = arith.constant 1.000000e+00 : f32
    %broadcast_in_dim3A_24 = vector.broadcast %broadcast_in_dim3A_23 : f32 to vector<16xf32>
    %swap3A_25 = arith.constant 64 : index
    %swap3A_26 = tpu.vector_load %arg6[%swap3A_25] {strides = array<i32>} : memref<80xf32, #tpu.memory_space<vmem>>, vector<16xf32>,
    %swap3A_27 = vector.shape_cast %swap3A_26 : vector<16xf32> to vector<16xf32>
    %swap3A_28 = vector.shape_cast %broadcast_in_dim3A_24 : vector<16xf32> to vector<16xf32>
    tpu.vector_store %arg6[%swap3A_25], %swap3A_28 {strides = array<i32>} : memref<80xf32, #tpu.memory_space<vmem>>, vector<16xf32>,
    %mul3A_29 = arith.constant 1256 : i32
    %mul3A_30 = arith.muli %arg1, %mul3A_29 : i32
    "tpu.region"() ({
      %run_scoped3A = tpu.sem_alloc : memref<!tpu.dma_semaphore, #tpu.memory_space<semaphore_mem>>
      %dma_start3A = tpu.memref_slice %arg3[%mul3A_30] : memref<20096xf32, #tpu.memory_space<hbm>> -> memref<1256xf32, #tpu.memory_space<hbm>>
      %dma_start3A_52 = tpu.memref_slice %arg3[%mul3A_30] : memref<20096xf32, #tpu.memory_space<hbm>> -> memref<1256xf32, #tpu.memory_space<hbm>>
      tpu.enqueue_dma source(%dma_start3A_52 : memref<1256xf32, #tpu.memory_space<hbm>>) target(%arg7 : memref<1256xf32, #tpu.memory_space<vmem>>) target_semaphore(%run_scoped3A : memref<!tpu.dma_semaphore, #tpu.memory_space<semaphore_mem>>)
      %dma_wait3A = tpu.memref_slice %arg3[%mul3A_30] : memref<20096xf32, #tpu.memory_space<hbm>> -> memref<1256xf32, #tpu.memory_space<hbm>>
      %dma_wait3A_53 = tpu.memref_slice %arg3[%mul3A_30] : memref<20096xf32, #tpu.memory_space<hbm>> -> memref<1256xf32, #tpu.memory_space<hbm>>
      tpu.wait_dma2 semaphore(%run_scoped3A : memref<!tpu.dma_semaphore, #tpu.memory_space<semaphore_mem>>) src(%dma_wait3A_53 : memref<1256xf32, #tpu.memory_space<hbm>>) dst(%arg7 : memref<1256xf32, #tpu.memory_space<vmem>>)
      tpu.yield
    }) : () -> ()
    %mul3A_31 = arith.constant 1256 : i32
    %mul3A_32 = arith.muli %arg1, %mul3A_31 : i32
    "tpu.region"() ({
      %run_scoped3A = tpu.sem_alloc : memref<!tpu.dma_semaphore, #tpu.memory_space<semaphore_mem>>
      %dma_start3A = tpu.memref_slice %arg8[%mul3A_32] : memref<20096xf32, #tpu.memory_space<vmem_shared>> -> memref<1256xf32, #tpu.memory_space<vmem_shared>>
      %dma_start3A_52 = tpu.memref_slice %arg8[%mul3A_32] : memref<20096xf32, #tpu.memory_space<vmem_shared>> -> memref<1256xf32, #tpu.memory_space<vmem_shared>>
      tpu.enqueue_dma source(%arg7 : memref<1256xf32, #tpu.memory_space<vmem>>) target(%dma_start3A_52 : memref<1256xf32, #tpu.memory_space<vmem_shared>>) target_semaphore(%run_scoped3A : memref<!tpu.dma_semaphore, #tpu.memory_space<semaphore_mem>>)
      %dma_wait3A = tpu.memref_slice %arg8[%mul3A_32] : memref<20096xf32, #tpu.memory_space<vmem_shared>> -> memref<1256xf32, #tpu.memory_space<vmem_shared>>
      %dma_wait3A_53 = tpu.memref_slice %arg8[%mul3A_32] : memref<20096xf32, #tpu.memory_space<vmem_shared>> -> memref<1256xf32, #tpu.memory_space<vmem_shared>>
      tpu.wait_dma2 semaphore(%run_scoped3A : memref<!tpu.dma_semaphore, #tpu.memory_space<semaphore_mem>>) src(%arg7 : memref<1256xf32, #tpu.memory_space<vmem>>) dst(%dma_wait3A_53 : memref<1256xf32, #tpu.memory_space<vmem_shared>>)
      tpu.yield
    }) : () -> ()
    "tpu.region"() ({
      %run_scoped3A = tpu.sem_alloc : memref<!tpu.dma_semaphore, #tpu.memory_space<semaphore_mem>>
      %dma_start3A = arith.constant 0 : i32
      %dma_start3A_52 = arith.constant 0 : i32
      %dma_start3A_53 = tpu.memref_slice %arg2[%add3A, %dma_start3A, %dma_start3A_52] : memref<32x125x80xi32, #tpu.memory_space<hbm>> -> memref<1x125x80xi32, #tpu.memory_space<hbm>>
      %dma_start3A_54 = tpu.memref_squeeze %dma_start3A_53 : memref<1x125x80xi32, #tpu.memory_space<hbm>> -> memref<125x80xi32, #tpu.memory_space<hbm>>
      %dma_start3A_55 = arith.constant 0 : i32
      %dma_start3A_56 = arith.constant 0 : i32
      %dma_start3A_57 = tpu.memref_slice %arg2[%add3A, %dma_start3A_55, %dma_start3A_56] : memref<32x125x80xi32, #tpu.memory_space<hbm>> -> memref<1x125x80xi32, #tpu.memory_space<hbm>>
      %dma_start3A_58 = tpu.memref_squeeze %dma_start3A_57 : memref<1x125x80xi32, #tpu.memory_space<hbm>> -> memref<125x80xi32, #tpu.memory_space<hbm>>
      tpu.enqueue_dma source(%dma_start3A_58 : memref<125x80xi32, #tpu.memory_space<hbm>>) target(%arg5 : memref<125x80xi32, #tpu.memory_space<vmem>>) target_semaphore(%run_scoped3A : memref<!tpu.dma_semaphore, #tpu.memory_space<semaphore_mem>>)
      %dma_wait3A = arith.constant 0 : i32
      %dma_wait3A_59 = arith.constant 0 : i32
      %dma_wait3A_60 = tpu.memref_slice %arg2[%add3A, %dma_wait3A, %dma_wait3A_59] : memref<32x125x80xi32, #tpu.memory_space<hbm>> -> memref<1x125x80xi32, #tpu.memory_space<hbm>>
      %dma_wait3A_61 = tpu.memref_squeeze %dma_wait3A_60 : memref<1x125x80xi32, #tpu.memory_space<hbm>> -> memref<125x80xi32, #tpu.memory_space<hbm>>
      %dma_wait3A_62 = arith.constant 0 : i32
      %dma_wait3A_63 = arith.constant 0 : i32
      %dma_wait3A_64 = tpu.memref_slice %arg2[%add3A, %dma_wait3A_62, %dma_wait3A_63] : memref<32x125x80xi32, #tpu.memory_space<hbm>> -> memref<1x125x80xi32, #tpu.memory_space<hbm>>
      %dma_wait3A_65 = tpu.memref_squeeze %dma_wait3A_64 : memref<1x125x80xi32, #tpu.memory_space<hbm>> -> memref<125x80xi32, #tpu.memory_space<hbm>>
      tpu.wait_dma2 semaphore(%run_scoped3A : memref<!tpu.dma_semaphore, #tpu.memory_space<semaphore_mem>>) src(%dma_wait3A_65 : memref<125x80xi32, #tpu.memory_space<hbm>>) dst(%arg5 : memref<125x80xi32, #tpu.memory_space<vmem>>)
      tpu.yield
    }) : () -> ()
    %barrier3A = arith.constant 0 : index
    tpu.barrier barrier_id(%barrier3A)
    %scan3A = arith.constant 0 : i32
    %scan3A_33 = arith.constant 0 : i32
    %scan3A_34 = arith.constant 125 : i32
    %scan3A_35 = arith.addi %scan3A_33, %scan3A_34 : i32
    %scan3A_36 = arith.constant 1 : i32
    scf.for %scan3A_52 = %scan3A_33 to %scan3A_35 step %scan3A_36  : i32 {
      %dma_start3A = arith.constant 0 : i32
      %dma_start3A_53 = tpu.memref_slice %arg5[%scan3A_52, %dma_start3A] : memref<125x80xi32, #tpu.memory_space<vmem>> -> memref<1x80xi32, #tpu.memory_space<vmem>>
      %dma_start3A_54 = tpu.memref_squeeze %dma_start3A_53 : memref<1x80xi32, #tpu.memory_space<vmem>> -> memref<80xi32, #tpu.memory_space<vmem>>
      %dma_start3A_55 = arith.constant 0 : i32
      %dma_start3A_56 = tpu.memref_slice %arg8[%dma_start3A_55] : memref<20096xf32, #tpu.memory_space<vmem_shared>> -> memref<20096xf32, #tpu.memory_space<vmem_shared>>
      tpu.enqueue_indirect_dma source(%arg6 : memref<80xf32, #tpu.memory_space<vmem>>) target(%dma_start3A_56 : memref<20096xf32, #tpu.memory_space<vmem_shared>>) offsets(%dma_start3A_54 : memref<80xi32, #tpu.memory_space<vmem>>) semaphore(%arg9 : memref<!tpu.dma_semaphore, #tpu.memory_space<semaphore_mem>>) {add = true}
    }
    %scan3A_37 = arith.constant 125 : i32
    %scan3A_38 = arith.constant 0 : i32
    %scan3A_39 = arith.constant 0 : i32
    %scan3A_40 = arith.constant 125 : i32
    %scan3A_41 = arith.addi %scan3A_39, %scan3A_40 : i32
    %scan3A_42 = arith.constant 1 : i32
    scf.for %scan3A_52 = %scan3A_39 to %scan3A_41 step %scan3A_42  : i32 {
      %dma_wait3A = arith.constant 0 : i32
      %dma_wait3A_53 = tpu.memref_slice %arg5[%scan3A_52, %dma_wait3A] : memref<125x80xi32, #tpu.memory_space<vmem>> -> memref<1x80xi32, #tpu.memory_space<vmem>>
      %dma_wait3A_54 = tpu.memref_squeeze %dma_wait3A_53 : memref<1x80xi32, #tpu.memory_space<vmem>> -> memref<80xi32, #tpu.memory_space<vmem>>
      %dma_wait3A_55 = arith.constant 0 : i32
      %dma_wait3A_56 = tpu.memref_slice %arg8[%dma_wait3A_55] : memref<20096xf32, #tpu.memory_space<vmem_shared>> -> memref<20096xf32, #tpu.memory_space<vmem_shared>>
      tpu.wait_indirect_dma semaphore(%arg9 : memref<!tpu.dma_semaphore, #tpu.memory_space<semaphore_mem>>) src(%arg6 : memref<80xf32, #tpu.memory_space<vmem>>) dst(%dma_wait3A_56 : memref<20096xf32, #tpu.memory_space<vmem_shared>>)
    }
    %scan3A_43 = arith.constant 125 : i32
    %barrier3A_44 = arith.constant 0 : index
    tpu.barrier barrier_id(%barrier3A_44)
    %mul3A_45 = arith.constant 1256 : i32
    %mul3A_46 = arith.muli %arg1, %mul3A_45 : i32
    "tpu.region"() ({
      %run_scoped3A = tpu.sem_alloc : memref<!tpu.dma_semaphore, #tpu.memory_space<semaphore_mem>>
      %dma_start3A = tpu.memref_slice %arg8[%mul3A_46] : memref<20096xf32, #tpu.memory_space<vmem_shared>> -> memref<1256xf32, #tpu.memory_space<vmem_shared>>
      %dma_start3A_52 = tpu.memref_slice %arg8[%mul3A_46] : memref<20096xf32, #tpu.memory_space<vmem_shared>> -> memref<1256xf32, #tpu.memory_space<vmem_shared>>
      tpu.enqueue_dma source(%dma_start3A_52 : memref<1256xf32, #tpu.memory_space<vmem_shared>>) target(%arg7 : memref<1256xf32, #tpu.memory_space<vmem>>) target_semaphore(%run_scoped3A : memref<!tpu.dma_semaphore, #tpu.memory_space<semaphore_mem>>)
      %dma_wait3A = tpu.memref_slice %arg8[%mul3A_46] : memref<20096xf32, #tpu.memory_space<vmem_shared>> -> memref<1256xf32, #tpu.memory_space<vmem_shared>>
      %dma_wait3A_53 = tpu.memref_slice %arg8[%mul3A_46] : memref<20096xf32, #tpu.memory_space<vmem_shared>> -> memref<1256xf32, #tpu.memory_space<vmem_shared>>
      tpu.wait_dma2 semaphore(%run_scoped3A : memref<!tpu.dma_semaphore, #tpu.memory_space<semaphore_mem>>) src(%dma_wait3A_53 : memref<1256xf32, #tpu.memory_space<vmem_shared>>) dst(%arg7 : memref<1256xf32, #tpu.memory_space<vmem>>)
      tpu.yield
    }) : () -> ()
    %mul3A_47 = arith.constant 20096 : i32
    %mul3A_48 = arith.muli %arg0, %mul3A_47 : i32
    %mul3A_49 = arith.constant 1256 : i32
    %mul3A_50 = arith.muli %arg1, %mul3A_49 : i32
    %add3A_51 = arith.addi %mul3A_48, %mul3A_50 : i32
    "tpu.region"() ({
      %run_scoped3A = tpu.sem_alloc : memref<!tpu.dma_semaphore, #tpu.memory_space<semaphore_mem>>
      %dma_start3A = tpu.memref_slice %arg4[%add3A_51] : memref<40192xf32, #tpu.memory_space<hbm>> -> memref<1256xf32, #tpu.memory_space<hbm>>
      %dma_start3A_52 = tpu.memref_slice %arg4[%add3A_51] : memref<40192xf32, #tpu.memory_space<hbm>> -> memref<1256xf32, #tpu.memory_space<hbm>>
      tpu.enqueue_dma source(%arg7 : memref<1256xf32, #tpu.memory_space<vmem>>) target(%dma_start3A_52 : memref<1256xf32, #tpu.memory_space<hbm>>) target_semaphore(%run_scoped3A : memref<!tpu.dma_semaphore, #tpu.memory_space<semaphore_mem>>)
      %dma_wait3A = tpu.memref_slice %arg4[%add3A_51] : memref<40192xf32, #tpu.memory_space<hbm>> -> memref<1256xf32, #tpu.memory_space<hbm>>
      %dma_wait3A_53 = tpu.memref_slice %arg4[%add3A_51] : memref<40192xf32, #tpu.memory_space<hbm>> -> memref<1256xf32, #tpu.memory_space<hbm>>
      tpu.wait_dma2 semaphore(%run_scoped3A : memref<!tpu.dma_semaphore, #tpu.memory_space<semaphore_mem>>) src(%arg7 : memref<1256xf32, #tpu.memory_space<vmem>>) dst(%dma_wait3A_53 : memref<1256xf32, #tpu.memory_space<hbm>>)
      tpu.yield
    }) : () -> ()
    return
  }
}

module attributes {stable_mosaic.version = 14 : i64} {
  func.func @_g_body(%arg0: memref<20000x128xf32, #tpu.memory_space<vmem>>, %arg1: memref<128x8xf32, #tpu.memory_space<vmem>>, %arg2: memref<40192xf32, #tpu.memory_space<vmem>>, %arg3: memref<8x20096xf32, #tpu.memory_space<vmem>>) attributes {dimension_semantics = [], scalar_prefetch = 0 : i64, scratch_operands = 0 : i64, tpu.core_type = #tpu.core_type<tc>} {
    %get3A = arith.constant 0 : index
    %get3A_0 = arith.constant 0 : index
    %get3A_1 = vector.load %arg1[%get3A, %get3A_0] : memref<128x8xf32, #tpu.memory_space<vmem>>, vector<128x8xf32>
    %get3A_2 = arith.constant 0 : index
    %get3A_3 = arith.constant 0 : index
    %get3A_4 = vector.load %arg0[%get3A_2, %get3A_3] : memref<20000x128xf32, #tpu.memory_space<vmem>>, vector<20000x128xf32>
    %dot_general3A = arith.constant dense<0.000000e+00> : vector<8x20000xf32>
    %dot_general3A_5 = tpu.matmul %get3A_1, %get3A_4, %dot_general3A {dimension_numbers = #tpu.dot_dimension_numbers<[0], [1], [1], [0], [0, 1, 1, 0], [], []>, transpose_lhs_hint = false} : vector<128x8xf32>, vector<20000x128xf32>, vector<8x20000xf32> -> vector<8x20000xf32>
    %get3A_6 = arith.constant 0 : index
    %get3A_7 = vector.load %arg2[%get3A_6] : memref<40192xf32, #tpu.memory_space<vmem>>, vector<40192xf32>
    %slice3A = vector.extract_strided_slice %get3A_7 {offsets = [0], sizes = [20096], strides = [1]} : vector<40192xf32> to vector<20096xf32>
    %slice3A_8 = vector.extract_strided_slice %get3A_7 {offsets = [20096], sizes = [20096], strides = [1]} : vector<40192xf32> to vector<20096xf32>
    %add3A = arith.addf %slice3A, %slice3A_8 : vector<20096xf32>
    %add3A_9 = arith.constant 1.000000e+00 : f32
    %add3A_10 = vector.broadcast %add3A_9 : f32 to vector<20096xf32>
    %add3A_11 = arith.addf %add3A, %add3A_10 : vector<20096xf32>
    %rsqrt3A = math.rsqrt %add3A_11 : vector<20096xf32>
    %reshape3A = vector.shape_cast %rsqrt3A : vector<20096xf32> to vector<1x20096xf32>
    %jit3A = arith.constant 0 : i32
    %convert_element_type3A = arith.sitofp %jit3A : i32 to f32
    %pad3A = vector.broadcast %convert_element_type3A : f32 to vector<8x96xf32>
    %pad3A_12 = tpu.concatenate %dot_general3A_5, %pad3A in 1 : vector<8x20000xf32>, vector<8x96xf32> -> vector<8x20096xf32>
    %mul3A = vector.broadcast %reshape3A : vector<1x20096xf32> to vector<8x20096xf32>
    %mul3A_13 = arith.mulf %pad3A_12, %mul3A : vector<8x20096xf32>
    %swap3A = arith.constant 0 : index
    %swap3A_14 = arith.constant 0 : index
    %swap3A_15 = vector.load %arg3[%swap3A, %swap3A_14] : memref<8x20096xf32, #tpu.memory_space<vmem>>, vector<8x20096xf32>
    tpu.vector_store %arg3[%swap3A, %swap3A_14], %mul3A_13 {strides = array<i32>} : memref<8x20096xf32, #tpu.memory_space<vmem>>, vector<8x20096xf32>,
    return
  }
}

module attributes {stable_mosaic.version = 14 : i64} {
  func.func @_head_body(%arg0: memref<2x1256x128xf32, #tpu.memory_space<vmem>>, %arg1: memref<2x1256x16xf32, #tpu.memory_space<vmem>>, %arg2: memref<16x128xf32, #tpu.memory_space<vmem>>, %arg3: memref<1x128xf32, #tpu.memory_space<vmem>>, %arg4: memref<128x16xf32, #tpu.memory_space<vmem>>, %arg5: memref<1x1xf32, #tpu.memory_space<vmem>>, %arg6: memref<1256x160xf32, #tpu.memory_space<vmem>>, %arg7: memref<160x10xf32, #tpu.memory_space<vmem>>, %arg8: memref<1x10xf32, #tpu.memory_space<vmem>>, %arg9: memref<2x10xf32, #tpu.memory_space<vmem>>) attributes {dimension_semantics = [], scalar_prefetch = 0 : i64, scratch_operands = 0 : i64, tpu.core_type = #tpu.core_type<tc>} {
    %get3A = arith.constant 0 : index
    %get3A_0 = arith.constant 0 : index
    %get3A_1 = arith.constant 0 : index
    %get3A_2 = vector.load %arg1[%get3A, %get3A_0, %get3A_1] : memref<2x1256x16xf32, #tpu.memory_space<vmem>>, vector<1x1256x16xf32>
    %get3A_3 = vector.shape_cast %get3A_2 : vector<1x1256x16xf32> to vector<1256x16xf32>
    %get3A_4 = arith.constant 1 : index
    %get3A_5 = arith.constant 0 : index
    %get3A_6 = arith.constant 0 : index
    %get3A_7 = vector.load %arg1[%get3A_4, %get3A_5, %get3A_6] : memref<2x1256x16xf32, #tpu.memory_space<vmem>>, vector<1x1256x16xf32>
    %get3A_8 = vector.shape_cast %get3A_7 : vector<1x1256x16xf32> to vector<1256x16xf32>
    %add3A = arith.addf %get3A_3, %get3A_8 : vector<1256x16xf32>
    %add3A_9 = arith.constant 1.000000e+00 : f32
    %add3A_10 = vector.broadcast %add3A_9 : f32 to vector<1256x16xf32>
    %add3A_11 = arith.addf %add3A, %add3A_10 : vector<1256x16xf32>
    %rsqrt3A = math.rsqrt %add3A_11 : vector<1256x16xf32>
    %get3A_12 = arith.constant 0 : index
    %get3A_13 = arith.constant 0 : index
    %get3A_14 = vector.load %arg2[%get3A_12, %get3A_13] : memref<16x128xf32, #tpu.memory_space<vmem>>, vector<16x128xf32>
    %dot_general3A = arith.constant dense<0.000000e+00> : vector<1256x128xf32>
    %dot_general3A_15 = tpu.matmul %rsqrt3A, %get3A_14, %dot_general3A {dimension_numbers = #tpu.dot_dimension_numbers<[1], [0], [0], [1], [0, 0, 1, 1], [], []>, transpose_lhs_hint = false} : vector<1256x16xf32>, vector<16x128xf32>, vector<1256x128xf32> -> vector<1256x128xf32>
    %get3A_16 = arith.constant 0 : index
    %get3A_17 = arith.constant 0 : index
    %get3A_18 = arith.constant 0 : index
    %get3A_19 = vector.load %arg0[%get3A_16, %get3A_17, %get3A_18] : memref<2x1256x128xf32, #tpu.memory_space<vmem>>, vector<1x1256x128xf32>
    %get3A_20 = vector.shape_cast %get3A_19 : vector<1x1256x128xf32> to vector<1256x128xf32>
    %get3A_21 = arith.constant 1 : index
    %get3A_22 = arith.constant 0 : index
    %get3A_23 = arith.constant 0 : index
    %get3A_24 = vector.load %arg0[%get3A_21, %get3A_22, %get3A_23] : memref<2x1256x128xf32, #tpu.memory_space<vmem>>, vector<1x1256x128xf32>
    %get3A_25 = vector.shape_cast %get3A_24 : vector<1x1256x128xf32> to vector<1256x128xf32>
    %add3A_26 = arith.addf %get3A_20, %get3A_25 : vector<1256x128xf32>
    %mul3A = arith.mulf %add3A_26, %dot_general3A_15 : vector<1256x128xf32>
    %get3A_27 = arith.constant 0 : index
    %get3A_28 = arith.constant 0 : index
    %get3A_29 = vector.load %arg3[%get3A_27, %get3A_28] : memref<1x128xf32, #tpu.memory_space<vmem>>, vector<1x128xf32>
    %add3A_30 = vector.broadcast %get3A_29 : vector<1x128xf32> to vector<1256x128xf32>
    %add3A_31 = arith.addf %mul3A, %add3A_30 : vector<1256x128xf32>
    %ge3A = arith.constant 0.000000e+00 : f32
    %ge3A_32 = vector.broadcast %ge3A : f32 to vector<1256x128xf32>
    %ge3A_33 = arith.cmpf oge, %add3A_31, %ge3A_32 : vector<1256x128xf32>
    %mul3A_34 = arith.constant 0.00999999977 : f32
    %mul3A_35 = vector.broadcast %mul3A_34 : f32 to vector<1256x128xf32>
    %mul3A_36 = arith.mulf %mul3A_35, %add3A_31 : vector<1256x128xf32>
    %select_n3A = arith.select %ge3A_33, %add3A_31, %mul3A_36 : vector<1256x128xi1>, vector<1256x128xf32>
    %get3A_37 = arith.constant 0 : index
    %get3A_38 = arith.constant 0 : index
    %get3A_39 = vector.load %arg4[%get3A_37, %get3A_38] : memref<128x16xf32, #tpu.memory_space<vmem>>, vector<128x16xf32>
    %dot_general3A_40 = arith.constant dense<0.000000e+00> : vector<1256x16xf32>
    %dot_general3A_41 = tpu.matmul %select_n3A, %get3A_39, %dot_general3A_40 {dimension_numbers = #tpu.dot_dimension_numbers<[1], [0], [0], [1], [0, 0, 1, 1], [], []>, transpose_lhs_hint = false} : vector<1256x128xf32>, vector<128x16xf32>, vector<1256x16xf32> -> vector<1256x16xf32>
    %get3A_42 = arith.constant 0 : index
    %get3A_43 = arith.constant 0 : index
    %get3A_44 = vector.load %arg5[%get3A_42, %get3A_43] : memref<1x1xf32, #tpu.memory_space<vmem>>, vector<1x1xf32>
    %get3A_45 = vector.extract %get3A_44[0, 0] : f32 from vector<1x1xf32>
    %add3A_46 = vector.broadcast %get3A_45 : f32 to vector<1256x16xf32>
    %add3A_47 = arith.addf %dot_general3A_41, %add3A_46 : vector<1256x16xf32>
    %ge3A_48 = arith.constant 0.000000e+00 : f32
    %ge3A_49 = vector.broadcast %ge3A_48 : f32 to vector<1256x16xf32>
    %ge3A_50 = arith.cmpf oge, %add3A_47, %ge3A_49 : vector<1256x16xf32>
    %mul3A_51 = arith.constant 0.00999999977 : f32
    %mul3A_52 = vector.broadcast %mul3A_51 : f32 to vector<1256x16xf32>
    %mul3A_53 = arith.mulf %mul3A_52, %add3A_47 : vector<1256x16xf32>
    %select_n3A_54 = arith.select %ge3A_50, %add3A_47, %mul3A_53 : vector<1256x16xi1>, vector<1256x16xf32>
    %concatenate3A = tpu.concatenate %select_n3A_54, %select_n3A_54, %select_n3A_54, %select_n3A_54, %select_n3A_54, %select_n3A_54, %select_n3A_54, %select_n3A_54, %select_n3A_54, %select_n3A_54 in 1 : vector<1256x16xf32>, vector<1256x16xf32>, vector<1256x16xf32>, vector<1256x16xf32>, vector<1256x16xf32>, vector<1256x16xf32>, vector<1256x16xf32>, vector<1256x16xf32>, vector<1256x16xf32>, vector<1256x16xf32> -> vector<1256x160xf32>
    %get3A_55 = arith.constant 0 : index
    %get3A_56 = arith.constant 0 : index
    %get3A_57 = vector.load %arg6[%get3A_55, %get3A_56] : memref<1256x160xf32, #tpu.memory_space<vmem>>, vector<1256x160xf32>
    %mul3A_58 = arith.mulf %concatenate3A, %get3A_57 : vector<1256x160xf32>
    %iota3A = tpu.iota {dimensions = array<i32: 0>} : vector<1256x1xi32>
    %lt3A = arith.constant 625 : i32
    %lt3A_59 = vector.broadcast %lt3A : i32 to vector<1256x1xi32>
    %lt3A_60 = arith.cmpi slt, %iota3A, %lt3A_59 : vector<1256x1xi32>
    %jit3A = arith.constant 0.000000e+00 : f32
    %broadcast_in_dim3A = vector.shape_cast %lt3A_60 : vector<1256x1xi1> to vector<1256x1xi1>
    %broadcast_in_dim3A_61 = vector.broadcast %broadcast_in_dim3A : vector<1256x1xi1> to vector<1256x160xi1>
    %broadcast_in_dim3A_62 = vector.broadcast %jit3A : f32 to vector<1256x160xf32>
    %select_n3A_63 = arith.select %broadcast_in_dim3A_61, %mul3A_58, %broadcast_in_dim3A_62 : vector<1256x160xi1>, vector<1256x160xf32>
    %reduce_sum3A = arith.constant dense<0.000000e+00> : vector<160xf32>
    %reduce_sum3A_64 = vector.multi_reduction <add>, %select_n3A_63, %reduce_sum3A [0] : vector<1256x160xf32> to vector<160xf32>
    %broadcast_in_dim3A_65 = vector.shape_cast %reduce_sum3A_64 : vector<160xf32> to vector<1x160xf32>
    %ge3A_66 = arith.constant 625 : i32
    %ge3A_67 = vector.broadcast %ge3A_66 : i32 to vector<1256x1xi32>
    %ge3A_68 = arith.cmpi sge, %iota3A, %ge3A_67 : vector<1256x1xi32>
    %lt3A_69 = arith.constant 1250 : i32
    %lt3A_70 = vector.broadcast %lt3A_69 : i32 to vector<1256x1xi32>
    %lt3A_71 = arith.cmpi slt, %iota3A, %lt3A_70 : vector<1256x1xi32>
    %and3A = arith.andi %ge3A_68, %lt3A_71 : vector<1256x1xi1>
    %jit3A_72 = arith.constant 0.000000e+00 : f32
    %broadcast_in_dim3A_73 = vector.shape_cast %and3A : vector<1256x1xi1> to vector<1256x1xi1>
    %broadcast_in_dim3A_74 = vector.broadcast %broadcast_in_dim3A_73 : vector<1256x1xi1> to vector<1256x160xi1>
    %broadcast_in_dim3A_75 = vector.broadcast %jit3A_72 : f32 to vector<1256x160xf32>
    %select_n3A_76 = arith.select %broadcast_in_dim3A_74, %mul3A_58, %broadcast_in_dim3A_75 : vector<1256x160xi1>, vector<1256x160xf32>
    %reduce_sum3A_77 = arith.constant dense<0.000000e+00> : vector<160xf32>
    %reduce_sum3A_78 = vector.multi_reduction <add>, %select_n3A_76, %reduce_sum3A_77 [0] : vector<1256x160xf32> to vector<160xf32>
    %broadcast_in_dim3A_79 = vector.shape_cast %reduce_sum3A_78 : vector<160xf32> to vector<1x160xf32>
    %concatenate3A_80 = tpu.concatenate %broadcast_in_dim3A_65, %broadcast_in_dim3A_79 in 0 : vector<1x160xf32>, vector<1x160xf32> -> vector<2x160xf32>
    %get3A_81 = arith.constant 0 : index
    %get3A_82 = arith.constant 0 : index
    %get3A_83 = vector.load %arg7[%get3A_81, %get3A_82] : memref<160x10xf32, #tpu.memory_space<vmem>>, vector<160x10xf32>
    %dot_general3A_84 = arith.constant dense<0.000000e+00> : vector<2x10xf32>
    %dot_general3A_85 = tpu.matmul %concatenate3A_80, %get3A_83, %dot_general3A_84 {dimension_numbers = #tpu.dot_dimension_numbers<[1], [0], [0], [1], [0, 0, 1, 1], [], []>, transpose_lhs_hint = false} : vector<2x160xf32>, vector<160x10xf32>, vector<2x10xf32> -> vector<2x10xf32>
    %get3A_86 = arith.constant 0 : index
    %get3A_87 = arith.constant 0 : index
    %get3A_88 = vector.load %arg8[%get3A_86, %get3A_87] : memref<1x10xf32, #tpu.memory_space<vmem>>, vector<1x10xf32>
    %add3A_89 = vector.broadcast %get3A_88 : vector<1x10xf32> to vector<2x10xf32>
    %add3A_90 = arith.addf %dot_general3A_85, %add3A_89 : vector<2x10xf32>
    %reduce_max3A = arith.constant dense<0xFF800000> : vector<2xf32>
    %reduce_max3A_91 = vector.multi_reduction <maximumf>, %add3A_90, %reduce_max3A [1] : vector<2x10xf32> to vector<2xf32>
    %broadcast_in_dim3A_92 = vector.shape_cast %reduce_max3A_91 : vector<2xf32> to vector<2x1xf32>
    %sub3A = vector.broadcast %broadcast_in_dim3A_92 : vector<2x1xf32> to vector<2x10xf32>
    %sub3A_93 = arith.subf %add3A_90, %sub3A : vector<2x10xf32>
    %exp3A = math.exp %sub3A_93 : vector<2x10xf32>
    %reduce_sum3A_94 = arith.constant dense<0.000000e+00> : vector<2xf32>
    %reduce_sum3A_95 = vector.multi_reduction <add>, %exp3A, %reduce_sum3A_94 [1] : vector<2x10xf32> to vector<2xf32>
    %broadcast_in_dim3A_96 = vector.shape_cast %reduce_sum3A_95 : vector<2xf32> to vector<2x1xf32>
    %log3A = math.log %broadcast_in_dim3A_96 : vector<2x1xf32>
    %add3A_97 = arith.addf %log3A, %broadcast_in_dim3A_92 : vector<2x1xf32>
    %sub3A_98 = vector.broadcast %add3A_97 : vector<2x1xf32> to vector<2x10xf32>
    %sub3A_99 = arith.subf %add3A_90, %sub3A_98 : vector<2x10xf32>
    %swap3A = arith.constant 0 : index
    %swap3A_100 = arith.constant 0 : index
    %swap3A_101 = vector.load %arg9[%swap3A, %swap3A_100] : memref<2x10xf32, #tpu.memory_space<vmem>>, vector<2x10xf32>
    tpu.vector_store %arg9[%swap3A, %swap3A_100], %sub3A_99 {strides = array<i32>} : memref<2x10xf32, #tpu.memory_space<vmem>>, vector<2x10xf32>,
    return
  }
}

</mosaic_0001>

<sc_bundles>
// kernel: kernel.6.cloned.1.call-start
scs
__scs_entry_jumppad:
0x0: {  	(pc) =	sbr.rel $0x88, $3  }
0x1: {  	(tag) =	ssettag $0x0;
	lr =	simm.s32 $0x1  }
0x2: {  	[smem:$0x3F99] =	sst lr;
	_ =	strace $0xD0000000  }
0x3: {  	_ = 	snop  }
0x4: {  	_ = 	snop  }
0x5: {  	_ = 	snop  }
0x6: {  	_ = 	snop  }
0x7: {  	_ = 	snop  }
__scs_overlays_trampoline_lowered:
0x8: {  	[smem:$0x3FA8] =	sst s0  }
0x9: {  	[smem:$0x3FA9] =	sst s1  }
0xa: {  	[smem:$0x3FAA] =	sst s2  }
0xb: {  	[smem:$0x3FAB] =	sst s3  }
0xc: {  	[smem:$0x3FAC] =	sst s4  }
0xd: {  	[smem:$0x3FAD] =	sst s5  }
0xe: {  	[smem:$0x3FAE] =	sst s6  }
0xf: {  	[smem:$0x3FAF] =	sst s7  }
0x10: {  	[smem:$0x3FB0] =	sst s8  }
0x11: {  	[smem:$0x3FB1] =	sst s9;
	s0 =	simm.s32 @!p0 $0x0  }
0x12: {  	s1 =	sld [smem:$0x3F97];
	s0 =	simm.s32 @p0 $0x1  }
0x13: {  	[smem:$0x3FB2] =	sst s0;
	s0 =	simm.s32 @!p1 $0x0  }
0x14: {  	s2 =	sld [smem:$0x3F96];
	s0 =	simm.s32 @p1 $0x1  }
0x15: {  	[smem:$0x3FB3] =	sst s0;
	s0 =	simm.s32 @!p2 $0x0  }
0x16: {  	s3 =	sld [smem:$0x3FDB];
	s0 =	simm.s32 @p2 $0x1  }
0x17: {  	s4 =	simm.s32 $0x1BF5;
	[smem:$0x3FB5] =	sst s0  }
0x18: {  	s0 =	sld [smem:$0x3F98];
	_ =	swait.ge [sflag:s4], $0x0  }
0x19: {  	s7 =	sld [smem:$0x3F99]  }
0x1a: {  	s8 =	sadd.s32 $0xFFFFE003, lr  }
0x1b: {  	s9 =	sadd.s32 $0xFFFFFEF7, lr;
	s5 =	simm.s32 $0xFFFFFFFF;
	p2 =	slt.u32 s8, $0xFFFFF086  }
0x1c: {  	p1 =	slt.u32 s9, $0xF7A;
	s5 =	simm.s32 @!p2 $0x0  }
0x1d: {  	s5 =	simm.s32 @p1 $0x1;
	p0 =	seq.s32 s7, s2  }
0x1e: {  	s7 =	smul.u32 @!p0 $0xF7A, s2;
	p2 =	seq.s32 @!p0 s5, $0x0  }
0x1f: {  	s9 =	smul.u32 $0xF7A, s1;
	s8 =	simm.s32 @!p0 $0x1BF5;
	p2 =	por !p2, p0  }
0x20: {  	[sflag:s8] =	ssyncset.s32 @!p0 $0xFFFFF086;
	s6 =	sadd.s32 @!p0 s3, s7;
	s7 =	simm.s32 @!p0 $0x108  }
0x21: {  	s3 =	sadd.s32 s3, s9;
	s6 =	sadd.s32 @!p0 $0x88, s6;
	s7 =	simm.s32 @p2 $0x1082  }
0x22: {  	[simem:s7], [sflag:s8] =	dma.local @!p0 [hbm:s6], $0xF7A  }
0x23: {  	s9 =	sor.u32 $0xD0000000, s2;
	s6 =	simm.s32 $0x108;
	_ =	swait.ge @!p0 [sflag:s8], $0x0  }
0x24: {  	s3 =	sadd.s32 $0x88, s3;
	s6 =	simm.s32 @!p1 $0x1082;
	[sflag:s4] =	ssyncset.s32 $0xFFFFF086  }
0x25: {  	[simem:s6], [sflag:s4] =	dma.local [hbm:s3], $0xF7A  }
0x26: {  	[smem:$0x3F99] =	sst s1;
	(tag) =	ssettag s2;
	_ =	strace s9  }
0x27: {  	s1 =	sld [smem:$0x3FA9]  }
0x28: {  	s2 =	sld [smem:$0x3FAA]  }
0x29: {  	s4 =	sld [smem:$0x3FAC]  }
0x2a: {  	p0 =	seq.s32 s5, $0x0;
	s5 =	sld [smem:$0x3FAD]  }
0x2b: {  	s6 =	sld [smem:$0x3FAE]  }
0x2c: {  	s7 =	sld [smem:$0x3FAF]  }
0x2d: {  	s3 =	simm.s32 $0x108;
	s8 =	sld [smem:$0x3FB0]  }
0x2e: {  	s3 =	simm.s32 @!p0 $0x1082;
	s9 =	sld [smem:$0x3FB1]  }
0x2f: {  	lr =	sadd.s32 s0, s3;
	s0 =	sld [smem:$0x3FA8]  }
0x30: {  	s3 =	sld [smem:$0x3FAB]  }
0x31: {  	[smem:$0x3FB4] =	sst s10  }
0x32: {  	s10 =	sld [smem:$0x3FB2];
	_ =	sdelay $0x3  }
0x33: {  	p0 =	seq.s32 s10, $0x1;
	s10 =	sld [smem:$0x3FB4];
	_ =	sdelay $0x3  }
0x34: {  	[smem:$0x3FB4] =	sst s10  }
0x35: {  	s10 =	sld [smem:$0x3FB3];
	_ =	sdelay $0x3  }
0x36: {  	p1 =	seq.s32 s10, $0x1;
	s10 =	sld [smem:$0x3FB4];
	_ =	sdelay $0x3  }
0x37: {  	[smem:$0x3FB4] =	sst s10  }
0x38: {  	s10 =	sld [smem:$0x3FB5]  }
0x39: {  	_ = 	snop;
	(pc) =	sbr.ind lr, $3  }
0x3a: {  	_ = 	snop  }
0x3b: {  	_ = 	snop  }
0x3c: {  	p2 =	seq.s32 s10, $0x1;
	s10 =	sld [smem:$0x3FB4]  }
0x3d: {  	_ =	shalt  }
0x3e: {  	_ =	shalt  }
0x3f: {  	_ =	shalt  }
0x40: {  	_ =	shalt  }
0x41: {  	_ =	shalt  }
0x42: {  	_ =	shalt  }
0x43: {  	_ =	shalt  }
0x44: {  	_ =	shalt  }
0x45: {  	_ =	shalt  }
0x46: {  	_ =	shalt  }
0x47: {  	_ =	shalt  }
0x48: {  	_ =	shalt  }
0x49: {  	_ =	shalt  }
0x4a: {  	_ =	shalt  }
0x4b: {  	_ =	shalt  }
0x4c: {  	_ =	shalt  }
0x4d: {  	_ =	shalt  }
0x4e: {  	_ =	shalt  }
0x4f: {  	_ =	shalt  }
0x50: {  	_ =	shalt  }
0x51: {  	_ =	shalt  }
0x52: {  	_ =	shalt  }
0x53: {  	_ =	shalt  }
0x54: {  	_ =	shalt  }
0x55: {  	_ =	shalt  }
0x56: {  	_ =	shalt  }
0x57: {  	_ =	shalt  }
0x58: {  	_ =	shalt  }
0x59: {  	_ =	shalt  }
0x5a: {  	_ =	shalt  }
0x5b: {  	_ =	shalt  }
0x5c: {  	_ =	shalt  }
0x5d: {  	_ =	shalt  }
0x5e: {  	_ =	shalt  }
0x5f: {  	_ =	shalt  }
0x60: {  	_ =	shalt  }
0x61: {  	_ =	shalt  }
0x62: {  	_ =	shalt  }
0x63: {  	_ =	shalt  }
0x64: {  	_ =	shalt  }
0x65: {  	_ =	shalt  }
0x66: {  	_ =	shalt  }
0x67: {  	_ =	shalt  }
0x68: {  	_ =	shalt  }
0x69: {  	_ =	shalt  }
0x6a: {  	_ =	shalt  }
0x6b: {  	_ =	shalt  }
0x6c: {  	_ =	shalt  }
0x6d: {  	_ =	shalt  }
0x6e: {  	_ =	shalt  }
0x6f: {  	_ =	shalt  }
0x70: {  	_ =	shalt  }
0x71: {  	_ =	shalt  }
0x72: {  	_ =	shalt  }
0x73: {  	_ =	shalt  }
0x74: {  	_ =	shalt  }
0x75: {  	_ =	shalt  }
0x76: {  	_ =	shalt  }
0x77: {  	_ =	shalt  }
0x78: {  	_ =	shalt  }
0x79: {  	_ =	shalt  }
0x7a: {  	_ =	shalt  }
0x7b: {  	_ =	shalt  }
0x7c: {  	_ =	shalt  }
0x7d: {  	_ =	shalt  }
0x7e: {  	_ =	shalt  }
0x7f: {  	_ =	shalt  }
0x80: {  	_ =	shalt  }
0x81: {  	_ =	shalt  }
0x82: {  	_ =	shalt  }
0x83: {  	_ =	shalt  }
0x84: {  	_ =	shalt  }
0x85: {  	_ =	shalt  }
0x86: {  	_ =	shalt  }
0x87: {  	_ =	shalt  }
.Lfunc_end0:
.L_simem_size_0:
called_computation_lowered:
.L_overlay_start_0:
0x88: {  	s2 =	sld [smem:$0x3FD9]  }
0x89: {  	s3 =	sld [smem:$0x3FFE];
	_ =	sdelay $0x1  }
0x8a: {  	s1 =	srdreg.scid  }
0x8b: {  	s0 =	sand.u32 $0x1, s1  }
0x8c: {  	s16 =	sshll.u32 s0, $0xA;
	s2 =	sadd.s32 s3, s2  }
0x8d: {  	s2 =	sadd.s32 s2, s16  }
0x8e: {  	[smem:$0x3FC0] =	sst s2  }
0x8f: {  	_ = 	snop  }
0x90: {  	(tm) =	ssettm $0x1  }
0x91: {  	s17 =	sld [smem:$0x3FFB];
	_ =	sdelay $0x3  }
0x92: {  	_ =	strace s17  }
0x93: {  	s2 =	sld [smem:$0x3FFC];
	_ =	sdelay $0x3  }
0x94: {  	_ =	strace s2  }
0x95: {  	s2 =	sld [smem:$0x3FFD];
	_ =	sdelay $0x3  }
0x96: {  	_ =	strace s2  }
0x97: {  	_ =	strace $0x8FFFFFFF  }
0x98: {  	s18 =	sld [smem:$0x3FDB];
	_ =	sdelay $0x1  }
0x99: {  	s19 =	simm.s32 $_scs_section_size  }
0x9a: {  	s4 =	simm.s32 $_size__tile_overlayer_lowered;
	s5 =	simm.s32 $_tile_overlayer_lowered  }
0x9b: {  	s22 =	simm.s32 $0x1BFF;
	s21 =	sshll.u32 s5, $0x1;
	s2 =	sadd.s32 s19, s18  }
0x9c: {  	s6 =	simm.s32 $0x0;
	s20 =	sshll.u32 s4, $0x1;
	s4 =	sadd.s32 s21, s2  }
0x9d: {  	[timem:s6], [sflag:s22] =	dma.local [hbm:s4], s20  }
0x9e: {  	_ =	swait.ge [sflag:s22], s20  }
0x9f: {  	s3 =	ssub.s32 $0x0, s20;
	[sflag:s22] =	ssyncset.done $0x0  }
0xa0: {  	[sflag:s22] =	ssyncadd.s32 s3;
	_ =	sdelay $0x1  }
0xa1: {  	s23 =	simm.s32 $0x1B8B  }
0xa2: {  	_ =	swait.ge [sflag:s23], $0x1  }
0xa3: {  	[sflag:s23] =	ssyncset.done $0x0  }
0xa4: {  	s25 =	simm.s32 $0x1B8E;
	s24 =	sld [smem:$0x3FFE];
	[sflag:s23] =	ssyncadd.s32 $0xFFFFFFFF  }
0xa5: {  	s26 =	simm.s32 $execute0_lowered;
	[smem:$0x3FD2] =	sst s25  }
0xa6: {  	s4 =	sshll.u32 s26, $0x1;
	_ =	strace $0x80000046;
	[dreg:$0x1] =	wrdreg $0xFFFFFFFF  }
0xa7: {  	s28 =	simm.s32 $_size_execute0_lowered;
	s2 =	sadd.s32 s2, s4;
	[dreg:$0x0] =	wrdreg $0x0  }
0xa8: {  	s4 =	sshll.u32 s28, $0x1;
	[dreg:$0x2] =	wrdreg s2  }
0xa9: {  	[dreg:$0x3] =	wrdreg s4  }
0xaa: {  	[dreg:$0x4] =	wrdreg $0xC0  }
0xab: {  	_ =	task [dreg:s6], $0x5FFFF  }
0xac: {  	[dreg:$0x1] =	wrdreg $0xFFFFFFFF  }
0xad: {  	[dreg:$0x0] =	wrdreg $0x60  }
0xae: {  	[dreg:$0x2] =	wrdreg s24  }
0xaf: {  	[dreg:$0x3] =	wrdreg $0x2C480  }
0xb0: {  	[dreg:$0x4] =	wrdreg $0x9  }
0xb1: {  	_ =	task.clear_ibuf [dreg:s6], $0x5FFFF;
	_ =	strace $0x90000046  }
0xb2: {  	s29 =	simm.s32 $0x9;
	_ =	strace $0x80000048  }
0xb3: {  	_ =	swait.ge [sflag:s29], $0x1  }
0xb4: {  	[sflag:s29] =	ssyncadd.s32 $0xFFFFFFFF  }
0xb5: {  	_ =	strace $0x90000048  }
0xb6: {  	_ =	sfence  }
0xb7: {  	s30 =	sld [smem:$0x0];
	_ =	sdelay $0x2  }
0xb8: {  	s31 =	sshll.u32 s1, $0xD;
	s1 =	sshrl.u32 s1, $0x2  }
0xb9: {  	s3 =	sand.u32 $0x4000, s31;
	s1 =	sadd.s32 s1, s30  }
0xba: {  	s0 =	sor.u32 s3, s0;
	s1 =	sshll.u32 s1, $0x11  }
0xbb: {  	s0 =	sor.u32 s1, s0  }
0xbc: {  	s0 =	sadd.s32 $0x8F2B, s0  }
0xbd: {  	[sflag:s0] =	ssyncadd.remote.s32 $0x1  }
0xbe: {  	_ =	sfence.sel $0xFFFF  }
0xbf: {  	[dreg:$0x0] =	wrdreg $0xFFFFFFFF;
	(pc) =	sbr.abs _section_cstart, $3  }
0xc0: {  	[dreg:$0x1] =	wrdreg $0xFFFFFFFF  }
0xc1: {  	_ =	task.clear_ibuf [dreg:s6], $0x2FFFF;
	_ =	strace $0x9FFFFFFF  }
0xc2: {  	(tm) =	ssettm $0x7FFFFFFF  }
0xc3: {  	_ =	shalt  }
tec
execute0_lowered:
.L_overlay_start_1:
0x0: {  	(tag) =	ssettag $0x1  }
0x1: {  	s5 =	rddreg [dreg:$0x0]  }
0x2: {  	s0 =	srdreg.scid;
	s2 =	rddreg [dreg:$0x1];
	s3 =	simm.s32 $0x0  }
0x3: {  	s11 =	simm.s32 $0x50;
	s12 =	simm.s32 $0x2710;
	s13 =	simm.s32 $0x1  }
0x4: {  	s14 =	simm.s32 $0x0;
	s4 =	sand.u32 $0x1, s0;
	s0 =	stileid.u32  }
0x5: {  	[smem:$0x7FF] =	sst s3;
	s1 =	sshll.u32 s4, $0x4;
	s7 =	smul.u32 $0x4E8, s0  }
0x6: {  	s8 =	smul.u32 $0x4E80, s4;
	s4 =	ssub.s32 $0x2, s4;
	s1 =	sor.u32 s0, s1  }
0x7: {  	s31 =	sshrl.u32 s4, $0x1;
	s6 =	smul.u32 $0x4E2, s1;
	s1 =	rddreg [dreg:$0x2]  }
0x8: {  	_ =	strace $0x80000047;
	s8 =	sadd.s32 s7, s8;
	s9 =	sshrl.u32 s7, $0x3  }
0x9: {  	s10 =	ssub.s32 s4, s31;
	s8 =	sshrl.u32 s8, $0x3;
	s9 =	sadd.s32 s9, s5  }
0xa: {  	s6 =	sadd.s32 s6, s5;
	s8 =	sadd.s32 s8, s5;
	s4 =	sadd.s32 $0x15000, s9  }
0xb: {  	s5 =	sadd.s32 s7, s2;
	s9 =	simm.s32 $0x2760;
	s6 =	sadd.s32 $0xB200, s6  }
0xc: {  	v0 =	vimm.f32 $1.000000000e+00;
	s7 =	sadd.s32 $0x15A00, s8;
	s8 =	smax.u32 s10, $0x1;
	s10 =	simm.s32 $0x2  }
.LBB2_1:
0xd: {  	[tilespmem:$0x2710] =	vst v0  }
0xe: {  	[tilespmem:$0x2720] =	vst v0  }
0xf: {  	[tilespmem:$0x2730] =	vst v0  }
0x10: {  	[tilespmem:$0x2740] =	vst v0  }
0x11: {  	[tilespmem:$0x2750] =	vst v0  }
0x12: {  	[tilespmem:s9], [sflag:$0x2] =	stream.linear.gather [hbm4b:s4+s3], $0x4E8, $0x38;
	[tilespmem:$0x3130] =	vst v63  }
0x13: {  	_ =	swait.ge [sflag:s10], $0x4E8  }
0x14: {  	[sflag:s10] =	ssyncset.done $0x0  }
0x15: {  	[sflag:s10] =	ssyncadd.s32 $0xFFFFFB18  }
0x16: {  	[spmem:s5] =	stream.linear.scatter [tilespmem:s9], [sflag:$0x2], $0x4E8, $0x38;
	[tilespmem:$0x3130] =	vst v63  }
0x17: {  	_ =	swait.ge [sflag:s10], $0x4E8  }
0x18: {  	[sflag:s10] =	ssyncset.done $0x0  }
0x19: {  	[sflag:s10] =	ssyncadd.s32 $0xFFFFFB18  }
0x1a: {  	[tilespmem:s3], [sflag:$0x2] =	stream.linear.gather [hbm4b:s6+s3], $0x2710, $0x38;
	[tilespmem:$0x3130] =	vst v63  }
0x1b: {  	_ =	swait.ge [sflag:s10], $0x2710  }
0x1c: {  	[sflag:s10] =	ssyncset.done $0x0  }
0x1d: {  	[sflag:s10] =	ssyncadd.s32 $0xFFFFD8F0  }
0x1e: {  	s15 =	simm.s32 $0x0;
	[bflag:$0x0] =	sbarrier.arrive $0xFFFF  }
.LBB2_2:
0x1f: {  	p0 =	sne.s32 s15, $0x9B00  }
.Ltmp0:
0x20: {  	_ = 	snop;
	(pc) =	sbr.rel @p0 .LBB2_2-.Ltmp0, $3  }
0x21: {  	_ =	sdelay $0x1  }
0x22: {  	s16 =	sshra.s32 s15, $0x2;
	s15 =	sadd.s32 $0x140, s15  }
0x23: {  	[spmem:s2] =	stream.indirect.scatter.add.f32 [tilespmem:s12], [sflag:$0x1], $0x1, s16, s11, $0xb8;
	[tilespmem:$0x3130] =	vst v63  }
0x24: {  	_ =	swait.ge [sflag:s13], $0x50  }
0x25: {  	s15 =	simm.s32 $0x7C;
	[sflag:s13] =	ssyncset.done $0x0  }
.LBB2_4:
0x26: {  	p0 =	sne.s32 s15, $0x1;
	s15 =	sadd.s32 $0xFFFFFFFF, s15;
	[sflag:s13] =	ssyncadd.s32 $0xFFFFFFB0  }
.Ltmp1:
0x27: {  	(pc) =	sbr.rel @p0 .LBB2_4-.Ltmp1, $3  }
0x28: {  	_ =	sdelay $0x1  }
0x29: {  	_ =	swait.ge [sflag:s13], $0x50  }
0x2a: {  	[sflag:s13] =	ssyncset.done $0x0  }
0x2b: {  	[sflag:s13] =	ssyncadd.s32 $0xFFFFFFB0  }
0x2c: {  	[bflag:$0x0] =	sbarrier.arrive $0xFFFF  }
0x2d: {  	[tilespmem:s9], [sflag:$0x2] =	stream.linear.gather [spmem:s5], $0x4E8, $0x38;
	[tilespmem:$0x3130] =	vst v63  }
0x2e: {  	s14 =	sadd.s32 $0x1, s14;
	_ =	swait.ge [sflag:s10], $0x4E8  }
0x2f: {  	p0 =	sne.s32 s14, s8;
	[sflag:s10] =	ssyncset.done $0x0  }
.Ltmp2:
0x30: {  	[sflag:s10] =	ssyncadd.s32 $0xFFFFFB18;
	(pc) =	sbr.rel @p0 .LBB2_1-.Ltmp2, $4  }
0x31: {  	[hbm4b:s7+s3] =	stream.linear.scatter [tilespmem:s9], [sflag:$0x2], $0x4E8, $0x38;
	[tilespmem:$0x3130] =	vst v63  }
0x32: {  	_ =	swait.ge [sflag:s10], $0x4E8  }
0x33: {  	[sflag:s10] =	ssyncset.done $0x0  }
0x34: {  	[sflag:s10] =	ssyncadd.s32 $0xFFFFFB18  }
0x35: {  	_ =	sfence.sel $0x180000  }
0x36: {  	[bflag:$0x0] =	sbarrier.arrive $0xFFFF  }
0x37: {  	p0 =	sne.s32 s0, $0x0;
	_ =	strace $0x90000047  }
0x38: {  	s0 =	sadd.s32 @!p0 $0x100000, s1;
	[bflag:$0x2] =	sbarrier.arrive $0xFFFF  }
0x39: {  	[sflag:s0] =	ssyncadd.tile.s32 @!p0 $0x1;
	_ =	shalt  }
.Lfunc_end2:
_tile_overlayer_lowered:
.L_overlay_start_2:
0x3a: {  	(tag) =	ssettag $0x2  }
0x3b: {  	s0 =	rddreg [dreg:$0x0];
	s2 =	stileid.u32  }
0x3c: {  	s1 =	rddreg [dreg:$0x1];
	p0 =	sne.s32 s2, $0x0  }
0x3d: {  	s3 =	rddreg [dreg:$0x2];
	[bflag:$0x3] =	sbarrier.arrive $0xFFFF;
	s2 =	simm.s32 @!p0 $0x1C02  }
0x3e: {  	[timem:s3], [sflag:s2] =	dma.local @!p0 [hbm:s0], s1  }
0x3f: {  	s0 =	simm.s32 @!p0 $0x2  }
0x40: {  	_ =	swait.ge @!p0 [sflag:s0], s1  }
0x41: {  	s1 =	ssub.s32 @!p0 $0x0, s1;
	[sflag:s0] =	ssyncset.done @!p0 $0x0  }
0x42: {  	[sflag:s0] =	ssyncadd.s32 @!p0 s1  }
0x43: {  	[bflag:$0x3] =	sbarrier.arrive $0xFFFF  }
0x44: {  	_ =	shalt  }

// kernel: kernel.9.cloned.1.call-start
scs
__scs_entry_jumppad:
0x0: {  	(pc) =	sbr.rel $0x88, $3  }
0x1: {  	(tag) =	ssettag $0x0;
	lr =	simm.s32 $0x1  }
0x2: {  	[smem:$0x3F99] =	sst lr;
	_ =	strace $0xD0000000  }
0x3: {  	_ = 	snop  }
0x4: {  	_ = 	snop  }
0x5: {  	_ = 	snop  }
0x6: {  	_ = 	snop  }
0x7: {  	_ = 	snop  }
__scs_overlays_trampoline_lowered:
0x8: {  	[smem:$0x3FA8] =	sst s0  }
0x9: {  	[smem:$0x3FA9] =	sst s1  }
0xa: {  	[smem:$0x3FAA] =	sst s2  }
0xb: {  	[smem:$0x3FAB] =	sst s3  }
0xc: {  	[smem:$0x3FAC] =	sst s4  }
0xd: {  	[smem:$0x3FAD] =	sst s5  }
0xe: {  	[smem:$0x3FAE] =	sst s6  }
0xf: {  	[smem:$0x3FAF] =	sst s7  }
0x10: {  	[smem:$0x3FB0] =	sst s8  }
0x11: {  	[smem:$0x3FB1] =	sst s9;
	s0 =	simm.s32 @!p0 $0x0  }
0x12: {  	s1 =	sld [smem:$0x3F97];
	s0 =	simm.s32 @p0 $0x1  }
0x13: {  	[smem:$0x3FB2] =	sst s0;
	s0 =	simm.s32 @!p1 $0x0  }
0x14: {  	s2 =	sld [smem:$0x3F96];
	s0 =	simm.s32 @p1 $0x1  }
0x15: {  	[smem:$0x3FB3] =	sst s0;
	s0 =	simm.s32 @!p2 $0x0  }
0x16: {  	s3 =	sld [smem:$0x3FDB];
	s0 =	simm.s32 @p2 $0x1  }
0x17: {  	s4 =	simm.s32 $0x1BF5;
	[smem:$0x3FB5] =	sst s0  }
0x18: {  	s0 =	sld [smem:$0x3F98];
	_ =	swait.ge [sflag:s4], $0x0  }
0x19: {  	s7 =	sld [smem:$0x3F99]  }
0x1a: {  	s8 =	sadd.s32 $0xFFFFE003, lr  }
0x1b: {  	s9 =	sadd.s32 $0xFFFFFEF7, lr;
	s5 =	simm.s32 $0xFFFFFFFF;
	p2 =	slt.u32 s8, $0xFFFFF086  }
0x1c: {  	p1 =	slt.u32 s9, $0xF7A;
	s5 =	simm.s32 @!p2 $0x0  }
0x1d: {  	s5 =	simm.s32 @p1 $0x1;
	p0 =	seq.s32 s7, s2  }
0x1e: {  	s7 =	smul.u32 @!p0 $0xF7A, s2;
	p2 =	seq.s32 @!p0 s5, $0x0  }
0x1f: {  	s9 =	smul.u32 $0xF7A, s1;
	s8 =	simm.s32 @!p0 $0x1BF5;
	p2 =	por !p2, p0  }
0x20: {  	[sflag:s8] =	ssyncset.s32 @!p0 $0xFFFFF086;
	s6 =	sadd.s32 @!p0 s3, s7;
	s7 =	simm.s32 @!p0 $0x108  }
0x21: {  	s3 =	sadd.s32 s3, s9;
	s6 =	sadd.s32 @!p0 $0x88, s6;
	s7 =	simm.s32 @p2 $0x1082  }
0x22: {  	[simem:s7], [sflag:s8] =	dma.local @!p0 [hbm:s6], $0xF7A  }
0x23: {  	s9 =	sor.u32 $0xD0000000, s2;
	s6 =	simm.s32 $0x108;
	_ =	swait.ge @!p0 [sflag:s8], $0x0  }
0x24: {  	s3 =	sadd.s32 $0x88, s3;
	s6 =	simm.s32 @!p1 $0x1082;
	[sflag:s4] =	ssyncset.s32 $0xFFFFF086  }
0x25: {  	[simem:s6], [sflag:s4] =	dma.local [hbm:s3], $0xF7A  }
0x26: {  	[smem:$0x3F99] =	sst s1;
	(tag) =	ssettag s2;
	_ =	strace s9  }
0x27: {  	s1 =	sld [smem:$0x3FA9]  }
0x28: {  	s2 =	sld [smem:$0x3FAA]  }
0x29: {  	s4 =	sld [smem:$0x3FAC]  }
0x2a: {  	p0 =	seq.s32 s5, $0x0;
	s5 =	sld [smem:$0x3FAD]  }
0x2b: {  	s6 =	sld [smem:$0x3FAE]  }
0x2c: {  	s7 =	sld [smem:$0x3FAF]  }
0x2d: {  	s3 =	simm.s32 $0x108;
	s8 =	sld [smem:$0x3FB0]  }
0x2e: {  	s3 =	simm.s32 @!p0 $0x1082;
	s9 =	sld [smem:$0x3FB1]  }
0x2f: {  	lr =	sadd.s32 s0, s3;
	s0 =	sld [smem:$0x3FA8]  }
0x30: {  	s3 =	sld [smem:$0x3FAB]  }
0x31: {  	[smem:$0x3FB4] =	sst s10  }
0x32: {  	s10 =	sld [smem:$0x3FB2];
	_ =	sdelay $0x3  }
0x33: {  	p0 =	seq.s32 s10, $0x1;
	s10 =	sld [smem:$0x3FB4];
	_ =	sdelay $0x3  }
0x34: {  	[smem:$0x3FB4] =	sst s10  }
0x35: {  	s10 =	sld [smem:$0x3FB3];
	_ =	sdelay $0x3  }
0x36: {  	p1 =	seq.s32 s10, $0x1;
	s10 =	sld [smem:$0x3FB4];
	_ =	sdelay $0x3  }
0x37: {  	[smem:$0x3FB4] =	sst s10  }
0x38: {  	s10 =	sld [smem:$0x3FB5]  }
0x39: {  	_ = 	snop;
	(pc) =	sbr.ind lr, $3  }
0x3a: {  	_ = 	snop  }
0x3b: {  	_ = 	snop  }
0x3c: {  	p2 =	seq.s32 s10, $0x1;
	s10 =	sld [smem:$0x3FB4]  }
0x3d: {  	_ =	shalt  }
0x3e: {  	_ =	shalt  }
0x3f: {  	_ =	shalt  }
0x40: {  	_ =	shalt  }
0x41: {  	_ =	shalt  }
0x42: {  	_ =	shalt  }
0x43: {  	_ =	shalt  }
0x44: {  	_ =	shalt  }
0x45: {  	_ =	shalt  }
0x46: {  	_ =	shalt  }
0x47: {  	_ =	shalt  }
0x48: {  	_ =	shalt  }
0x49: {  	_ =	shalt  }
0x4a: {  	_ =	shalt  }
0x4b: {  	_ =	shalt  }
0x4c: {  	_ =	shalt  }
0x4d: {  	_ =	shalt  }
0x4e: {  	_ =	shalt  }
0x4f: {  	_ =	shalt  }
0x50: {  	_ =	shalt  }
0x51: {  	_ =	shalt  }
0x52: {  	_ =	shalt  }
0x53: {  	_ =	shalt  }
0x54: {  	_ =	shalt  }
0x55: {  	_ =	shalt  }
0x56: {  	_ =	shalt  }
0x57: {  	_ =	shalt  }
0x58: {  	_ =	shalt  }
0x59: {  	_ =	shalt  }
0x5a: {  	_ =	shalt  }
0x5b: {  	_ =	shalt  }
0x5c: {  	_ =	shalt  }
0x5d: {  	_ =	shalt  }
0x5e: {  	_ =	shalt  }
0x5f: {  	_ =	shalt  }
0x60: {  	_ =	shalt  }
0x61: {  	_ =	shalt  }
0x62: {  	_ =	shalt  }
0x63: {  	_ =	shalt  }
0x64: {  	_ =	shalt  }
0x65: {  	_ =	shalt  }
0x66: {  	_ =	shalt  }
0x67: {  	_ =	shalt  }
0x68: {  	_ =	shalt  }
0x69: {  	_ =	shalt  }
0x6a: {  	_ =	shalt  }
0x6b: {  	_ =	shalt  }
0x6c: {  	_ =	shalt  }
0x6d: {  	_ =	shalt  }
0x6e: {  	_ =	shalt  }
0x6f: {  	_ =	shalt  }
0x70: {  	_ =	shalt  }
0x71: {  	_ =	shalt  }
0x72: {  	_ =	shalt  }
0x73: {  	_ =	shalt  }
0x74: {  	_ =	shalt  }
0x75: {  	_ =	shalt  }
0x76: {  	_ =	shalt  }
0x77: {  	_ =	shalt  }
0x78: {  	_ =	shalt  }
0x79: {  	_ =	shalt  }
0x7a: {  	_ =	shalt  }
0x7b: {  	_ =	shalt  }
0x7c: {  	_ =	shalt  }
0x7d: {  	_ =	shalt  }
0x7e: {  	_ =	shalt  }
0x7f: {  	_ =	shalt  }
0x80: {  	_ =	shalt  }
0x81: {  	_ =	shalt  }
0x82: {  	_ =	shalt  }
0x83: {  	_ =	shalt  }
0x84: {  	_ =	shalt  }
0x85: {  	_ =	shalt  }
0x86: {  	_ =	shalt  }
0x87: {  	_ =	shalt  }
.Lfunc_end0:
.L_simem_size_0:
called_computation.1_lowered:
.L_overlay_start_0:
0x88: {  	s2 =	sld [smem:$0x3FD9]  }
0x89: {  	s3 =	sld [smem:$0x3FFE];
	_ =	sdelay $0x1  }
0x8a: {  	s1 =	srdreg.scid  }
0x8b: {  	s0 =	sand.u32 $0x1, s1  }
0x8c: {  	s16 =	sshll.u32 s0, $0xA;
	s2 =	sadd.s32 s3, s2  }
0x8d: {  	s2 =	sadd.s32 s2, s16  }
0x8e: {  	[smem:$0x3FC0] =	sst s2  }
0x8f: {  	_ = 	snop  }
0x90: {  	(tm) =	ssettm $0x1  }
0x91: {  	s17 =	sld [smem:$0x3FFB];
	_ =	sdelay $0x3  }
0x92: {  	_ =	strace s17  }
0x93: {  	s2 =	sld [smem:$0x3FFC];
	_ =	sdelay $0x3  }
0x94: {  	_ =	strace s2  }
0x95: {  	s2 =	sld [smem:$0x3FFD];
	_ =	sdelay $0x3  }
0x96: {  	_ =	strace s2  }
0x97: {  	_ =	strace $0x8FFFFFFF  }
0x98: {  	s18 =	sld [smem:$0x3FDB];
	_ =	sdelay $0x1  }
0x99: {  	s19 =	simm.s32 $_scs_section_size  }
0x9a: {  	s4 =	simm.s32 $_size__tile_overlayer_lowered;
	s5 =	simm.s32 $_tile_overlayer_lowered  }
0x9b: {  	s22 =	simm.s32 $0x1BFF;
	s21 =	sshll.u32 s5, $0x1;
	s2 =	sadd.s32 s19, s18  }
0x9c: {  	s6 =	simm.s32 $0x0;
	s20 =	sshll.u32 s4, $0x1;
	s4 =	sadd.s32 s21, s2  }
0x9d: {  	[timem:s6], [sflag:s22] =	dma.local [hbm:s4], s20  }
0x9e: {  	_ =	swait.ge [sflag:s22], s20  }
0x9f: {  	s3 =	ssub.s32 $0x0, s20;
	[sflag:s22] =	ssyncset.done $0x0  }
0xa0: {  	[sflag:s22] =	ssyncadd.s32 s3;
	_ =	sdelay $0x1  }
0xa1: {  	s23 =	simm.s32 $0x1B8B  }
0xa2: {  	_ =	swait.ge [sflag:s23], $0x1  }
0xa3: {  	[sflag:s23] =	ssyncset.done $0x0  }
0xa4: {  	s25 =	simm.s32 $0x1B8E;
	s24 =	sld [smem:$0x3FFE];
	[sflag:s23] =	ssyncadd.s32 $0xFFFFFFFF  }
0xa5: {  	s26 =	simm.s32 $execute0_lowered;
	[smem:$0x3FD2] =	sst s25  }
0xa6: {  	s4 =	sshll.u32 s26, $0x1;
	_ =	strace $0x80000049;
	[dreg:$0x1] =	wrdreg $0xFFFFFFFF  }
0xa7: {  	s28 =	simm.s32 $_size_execute0_lowered;
	s2 =	sadd.s32 s2, s4;
	[dreg:$0x0] =	wrdreg $0x0  }
0xa8: {  	s4 =	sshll.u32 s28, $0x1;
	[dreg:$0x2] =	wrdreg s2  }
0xa9: {  	[dreg:$0x3] =	wrdreg s4  }
0xaa: {  	[dreg:$0x4] =	wrdreg $0xC0  }
0xab: {  	_ =	task [dreg:s6], $0x5FFFF  }
0xac: {  	[dreg:$0x1] =	wrdreg $0xFFFFFFFF  }
0xad: {  	[dreg:$0x0] =	wrdreg $0x60  }
0xae: {  	[dreg:$0x2] =	wrdreg s24  }
0xaf: {  	[dreg:$0x3] =	wrdreg $0x1ADE00  }
0xb0: {  	[dreg:$0x4] =	wrdreg $0x1D5200  }
0xb1: {  	[dreg:$0x5] =	wrdreg $0x9  }
0xb2: {  	_ =	task.clear_ibuf [dreg:s6], $0x6FFFF;
	_ =	strace $0x90000049  }
0xb3: {  	s29 =	simm.s32 $0x9;
	_ =	strace $0x8000004B  }
0xb4: {  	_ =	swait.ge [sflag:s29], $0x1  }
0xb5: {  	[sflag:s29] =	ssyncadd.s32 $0xFFFFFFFF  }
0xb6: {  	_ =	strace $0x9000004B  }
0xb7: {  	_ =	sfence  }
0xb8: {  	s30 =	sld [smem:$0x0];
	_ =	sdelay $0x2  }
0xb9: {  	s31 =	sshll.u32 s1, $0xD;
	s1 =	sshrl.u32 s1, $0x2  }
0xba: {  	s3 =	sand.u32 $0x4000, s31;
	s1 =	sadd.s32 s1, s30  }
0xbb: {  	s0 =	sor.u32 s3, s0;
	s1 =	sshll.u32 s1, $0x11  }
0xbc: {  	s0 =	sor.u32 s1, s0  }
0xbd: {  	s0 =	sadd.s32 $0x8F2B, s0  }
0xbe: {  	[sflag:s0] =	ssyncadd.remote.s32 $0x1  }
0xbf: {  	_ =	sfence.sel $0xFFFF  }
0xc0: {  	[dreg:$0x0] =	wrdreg $0xFFFFFFFF;
	(pc) =	sbr.abs _section_cstart, $3  }
0xc1: {  	[dreg:$0x1] =	wrdreg $0xFFFFFFFF  }
0xc2: {  	_ =	task.clear_ibuf [dreg:s6], $0x2FFFF;
	_ =	strace $0x9FFFFFFF  }
0xc3: {  	(tm) =	ssettm $0x7FFFFFFF  }
tec
execute0_lowered:
.L_overlay_start_1:
0x0: {  	(tag) =	ssettag $0x1  }
0x1: {  	s5 =	rddreg [dreg:$0x0]  }
0x2: {  	s1 =	rddreg [dreg:$0x1]  }
0x3: {  	s0 =	srdreg.scid;
	s3 =	rddreg [dreg:$0x2]  }
0x4: {  	s2 =	stileid.u32;
	s4 =	simm.s32 $0x0;
	s14 =	simm.s32 $0x3  }
0x5: {  	s15 =	simm.s32 $0x2710;
	s16 =	simm.s32 $0x50;
	s17 =	simm.s32 $0x1  }
0x6: {  	s18 =	simm.s32 $0x2;
	s13 =	sand.u32 $0x1, s0;
	s0 =	rddreg [dreg:$0x3]  }
0x7: {  	s19 =	simm.s32 $0x0;
	s8 =	smul.u32 $0x2740, s2;
	[smem:$0x7FF] =	sst s4  }
0x8: {  	s9 =	smul.u32 $0x4E8, s2;
	s6 =	sshll.u32 s13, $0x4;
	_ =	strace $0x8000004A  }
0x9: {  	s30 =	ssub.s32 $0x2, s13;
	s11 =	smul.u32 $0x4E80, s13;
	p0 =	seq.s32 s13, $0x0  }
0xa: {  	s13 =	simm.s32 $0x186A0;
	s6 =	sor.u32 s2, s6;
	s7 =	sshrl.u32 s8, $0x3  }
0xb: {  	s9 =	sadd.s32 s9, s5;
	s31 =	sshrl.u32 s30, $0x1;
	s6 =	smul.u32 $0x4E2, s6  }
0xc: {  	s7 =	sadd.s32 s7, s5;
	s12 =	ssub.s32 s30, s31;
	s11 =	sadd.s32 s11, s9  }
0xd: {  	s11 =	sadd.s32 $0x1F000, s11;
	s12 =	smax.u32 s12, $0x1;
	s10 =	sadd.s32 s6, s5  }
0xe: {  	s5 =	sadd.s32 $0x15000, s7;
	s6 =	sadd.s32 s8, s1;
	s7 =	sadd.s32 $0x1A000, s7  }
0xf: {  	s8 =	sadd.s32 s8, s3;
	s9 =	sadd.s32 $0x1400, s10;
	s10 =	sadd.s32 $0xB200, s10  }
.LBB2_1:
0x10: {  	[tilespmem:s13], [sflag:$0x3] =	stream.linear.gather [hbm4b:s5+s4], $0x2740, $0x38;
	[tilespmem:$0x1FC60] =	vst v63  }
0x11: {  	_ =	swait.ge [sflag:s14], $0x2740  }
0x12: {  	[sflag:s14] =	ssyncset.done $0x0  }
0x13: {  	[sflag:s14] =	ssyncadd.s32 $0xFFFFD8C0  }
0x14: {  	[spmem:s6] =	stream.linear.scatter [tilespmem:s13], [sflag:$0x3], $0x2740, $0x38;
	[tilespmem:$0x1FC60] =	vst v63  }
0x15: {  	_ =	swait.ge [sflag:s14], $0x2740  }
0x16: {  	[sflag:s14] =	ssyncset.done $0x0  }
0x17: {  	s20 =	simm.s32 @!p0 $0x0;
	s21 =	simm.s32 @!p0 $0x186A0;
	[sflag:s14] =	ssyncadd.s32 $0xFFFFD8C0  }
0x18: {  	[tilespmem:s21], [sflag:$0x3] =	stream.linear.gather @!p0 [hbm4b:s7+s20], $0x2740, $0x38;
	[tilespmem:$0x1FC60] =	vst v63  }
0x19: {  	s20 =	simm.s32 @!p0 $0x3  }
0x1a: {  	_ =	swait.ge @!p0 [sflag:s20], $0x2740  }
0x1b: {  	[sflag:s20] =	ssyncset.done @!p0 $0x0  }
0x1c: {  	[sflag:s20] =	ssyncadd.s32 @!p0 $0xFFFFD8C0  }
0x1d: {  	[spmem:s8] =	stream.linear.scatter [tilespmem:s13], [sflag:$0x3], $0x2740, $0x38;
	[tilespmem:$0x1FC60] =	vst v63  }
0x1e: {  	_ =	swait.ge [sflag:s14], $0x2740  }
0x1f: {  	[sflag:s14] =	ssyncset.done $0x0  }
0x20: {  	[sflag:s14] =	ssyncadd.s32 $0xFFFFD8C0  }
0x21: {  	[tilespmem:s4], [sflag:$0x3] =	stream.linear.gather [hbm4b:s9+s4], $0x2710, $0x38;
	[tilespmem:$0x1FC60] =	vst v63  }
0x22: {  	_ =	swait.ge [sflag:s14], $0x2710  }
0x23: {  	[sflag:s14] =	ssyncset.done $0x0  }
0x24: {  	[sflag:s14] =	ssyncadd.s32 $0xFFFFD8F0  }
0x25: {  	[tilespmem:s15], [sflag:$0x3] =	stream.linear.gather [hbm4b:s10+s4], $0x2710, $0x38;
	[tilespmem:$0x1FC60] =	vst v63  }
0x26: {  	_ =	swait.ge [sflag:s14], $0x2710  }
0x27: {  	[sflag:s14] =	ssyncset.done $0x0  }
0x28: {  	s22 =	simm.s32 $0x0;
	[sflag:s14] =	ssyncadd.s32 $0xFFFFD8F0  }
0x29: {  	s21 =	simm.s32 $0x4E20;
	s20 =	simm.s32 $0x4E20;
	[bflag:$0x0] =	sbarrier.arrive $0xFFFF  }
.LBB2_2:
0x2a: {  	p1 =	sne.s32 s22, $0x9B00  }
.Ltmp0:
0x2b: {  	_ = 	snop;
	(pc) =	sbr.rel @p1 .LBB2_2-.Ltmp0, $4  }
0x2c: {  	_ = 	snop  }
0x2d: {  	s23 =	sshra.s32 s22, $0x2  }
0x2e: {  	[tilespmem:s21], [sflag:$0x1] =	stream.indirect.gather [spmem:s1], $0x8, s23, s16, $0xb8;
	[tilespmem:$0x1FC60] =	vst v63  }
0x2f: {  	s22 =	sadd.s32 $0x140, s22;
	s21 =	sadd.s32 $0x280, s21  }
0x30: {  	_ =	swait.ge [sflag:s17], $0x280  }
0x31: {  	[sflag:s17] =	ssyncset.done $0x0  }
0x32: {  	s21 =	simm.s32 $0x2710;
	[sflag:s17] =	ssyncadd.s32 $0xFFFFFD80  }
0x33: {  	[spmem:s3] =	stream.indirect.scatter.add.f32 [tilespmem:s20], [sflag:$0x2], $0x8, s21, s16, $0xb8;
	[tilespmem:$0x1FC60] =	vst v63  }
0x34: {  	s21 =	simm.s32 $0x140  }
.LBB2_4:
0x35: {  	_ =	swait.ge [sflag:s17], $0x280;
	p1 =	sne.s32 s21, $0x9B00  }
.Ltmp1:
0x36: {  	(pc) =	sbr.rel @p1 .LBB2_4-.Ltmp1, $4  }
0x37: {  	s22 =	sshra.s32 s21, $0x2  }
0x38: {  	s21 =	sadd.s32 $0x140, s21;
	[sflag:s17] =	ssyncset.done $0x0  }
0x39: {  	s20 =	sadd.s32 $0x280, s20;
	s22 =	sadd.s32 $0x2710, s22;
	[sflag:s17] =	ssyncadd.s32 $0xFFFFFD80  }
0x3a: {  	[spmem:s3] =	stream.indirect.scatter.add.f32 [tilespmem:s20], [sflag:$0x2], $0x8, s22, s16, $0xb8;
	[tilespmem:$0x1FC60] =	vst v63  }
0x3b: {  	_ =	swait.ge [sflag:s18], $0x280  }
0x3c: {  	s20 =	simm.s32 $0x7C;
	[sflag:s18] =	ssyncset.done $0x0  }
.LBB2_6:
0x3d: {  	p1 =	sne.s32 s20, $0x1;
	s20 =	sadd.s32 $0xFFFFFFFF, s20;
	[sflag:s18] =	ssyncadd.s32 $0xFFFFFD80  }
.Ltmp2:
0x3e: {  	(pc) =	sbr.rel @p1 .LBB2_6-.Ltmp2, $3  }
0x3f: {  	_ =	sdelay $0x1  }
0x40: {  	_ =	swait.ge [sflag:s18], $0x280  }
0x41: {  	[sflag:s18] =	ssyncset.done $0x0  }
0x42: {  	[sflag:s18] =	ssyncadd.s32 $0xFFFFFD80  }
0x43: {  	[bflag:$0x0] =	sbarrier.arrive $0xFFFF  }
0x44: {  	[tilespmem:s13], [sflag:$0x3] =	stream.linear.gather [spmem:s8], $0x2740, $0x38;
	[tilespmem:$0x1FC60] =	vst v63  }
0x45: {  	s19 =	sadd.s32 $0x1, s19;
	_ =	swait.ge [sflag:s14], $0x2740  }
0x46: {  	p1 =	sne.s32 s19, s12;
	[sflag:s14] =	ssyncset.done $0x0  }
.Ltmp3:
0x47: {  	[sflag:s14] =	ssyncadd.s32 $0xFFFFD8C0;
	(pc) =	sbr.rel @p1 .LBB2_1-.Ltmp3, $4  }
0x48: {  	[hbm4b:s11+s4] =	stream.linear.scatter [tilespmem:s13], [sflag:$0x3], $0x2740, $0x38;
	[tilespmem:$0x1FC60] =	vst v63  }
0x49: {  	_ =	swait.ge [sflag:s14], $0x2740  }
0x4a: {  	[sflag:s14] =	ssyncset.done $0x0  }
0x4b: {  	[sflag:s14] =	ssyncadd.s32 $0xFFFFD8C0  }
0x4c: {  	_ =	sfence.sel $0x180000  }
0x4d: {  	[bflag:$0x0] =	sbarrier.arrive $0xFFFF  }
0x4e: {  	p0 =	sne.s32 s2, $0x0;
	_ =	strace $0x9000004A  }
0x4f: {  	s0 =	sadd.s32 @!p0 $0x100000, s0;
	[bflag:$0x2] =	sbarrier.arrive $0xFFFF  }
0x50: {  	[sflag:s0] =	ssyncadd.tile.s32 @!p0 $0x1;
	_ =	shalt  }
.Lfunc_end2:
_tile_overlayer_lowered:
.L_overlay_start_2:
0x51: {  	(tag) =	ssettag $0x2  }
0x52: {  	s0 =	rddreg [dreg:$0x0];
	s2 =	stileid.u32  }
0x53: {  	s1 =	rddreg [dreg:$0x1];
	p0 =	sne.s32 s2, $0x0  }
0x54: {  	s3 =	rddreg [dreg:$0x2];
	[bflag:$0x3] =	sbarrier.arrive $0xFFFF;
	s2 =	simm.s32 @!p0 $0x1C03  }
0x55: {  	[timem:s3], [sflag:s2] =	dma.local @!p0 [hbm:s0], s1  }
0x56: {  	s0 =	simm.s32 @!p0 $0x3  }
0x57: {  	_ =	swait.ge @!p0 [sflag:s0], s1  }
0x58: {  	s1 =	ssub.s32 @!p0 $0x0, s1;
	[sflag:s0] =	ssyncset.done @!p0 $0x0  }
0x59: {  	[sflag:s0] =	ssyncadd.s32 @!p0 s1  }
0x5a: {  	[bflag:$0x3] =	sbarrier.arrive $0xFFFF  }
0x5b: {  	_ =	shalt  }

</sc_bundles>
